<compile_context>
chip_gen: v7x
topology: tpu7x:2x2x1
jax: 0.10.2.dev20260603
libtpu: 0.0.44.dev20260713+nightly
codegen_flags: <defaults>
</compile_context>

<pallas_src>
import functools

import jax
import jax.numpy as jnp
from jax import lax
from jax.experimental import pallas as pl
from jax.experimental.pallas import tpu as pltpu
from jax.experimental.pallas import tpu_sc as plsc

L = 16
CH = 16
H = 8


def _make_sc_gather(n_nodes, n_graphs, d_in, chunk, n_workers, search_iters):
  nc = 2
  mesh = plsc.VectorSubcoreMesh(core_axis_name="c", subcore_axis_name="s",
                                num_cores=nc)
  last = n_workers - 1
  avail = n_nodes - (last * chunk - H)
  fill = chunk + 2 * H - avail

  @functools.partial(
      pl.kernel,
      mesh=mesh,
      compiler_params=pltpu.CompilerParams(needs_layout_passes=False),
      out_type=jax.ShapeDtypeStruct((n_graphs, d_in), jnp.float32),
      scratch_types=[
          pltpu.VMEM((chunk + 2 * H + L,), jnp.int32),
          pltpu.VMEM((n_graphs,), jnp.int32),
          pltpu.VMEM((1, CH), jnp.int32),
          pltpu.VMEM((1, CH), jnp.int32),
          pltpu.VMEM((1, CH), jnp.int32),
          pltpu.VMEM((1, CH), jnp.int32),
          pltpu.VMEM((CH, d_in), jnp.float32),
          pltpu.VMEM((CH, d_in), jnp.float32),
          pltpu.SemaphoreType.DMA,
          pltpu.SemaphoreType.DMA,
          pltpu.SemaphoreType.DMA,
      ],
  )
  def sc_gather(batch, ego, gnn_x, dsx_out, chunk_v, ego_v, pos0, gid0, pos1,
                gid1, rows0, rows1, sem_c, sem_g, sem_s):
    wid = lax.axis_index("s") * nc + lax.axis_index("c")
    base = wid * chunk

    cp_ego = pltpu.async_copy(ego, ego_v, sem_c)

    @pl.when(wid == 0)
    def _():
      pltpu.async_copy(batch.at[pl.ds(0, chunk + H)],
                       chunk_v.at[pl.ds(H, chunk + H)], sem_g).wait()

    @pl.when(jnp.logical_and(wid > 0, wid < last))
    def _():
      pltpu.async_copy(batch.at[pl.ds(base - H, chunk + 2 * H)],
                       chunk_v.at[pl.ds(0, chunk + 2 * H)], sem_g).wait()

    @pl.when(wid == last)
    def _():
      pltpu.async_copy(batch.at[pl.ds(last * chunk - H, avail)],
                       chunk_v.at[pl.ds(0, avail)], sem_g).wait()
      rep = (jnp.zeros((L,), jnp.int32)
             + chunk_v[pl.ds(avail - L, L)][L - 1])
      for k in range(-(-fill // L)):
        chunk_v[pl.ds(avail + k * L, L)] = rep

    cp_ego.wait()

    g_lo = chunk_v[pl.ds(0, L)][H - 1]
    g_lo = jnp.where(wid == 0, -1, g_lo)
    g_hi = chunk_v[pl.ds(chunk, L)][H - 1]
    gcnt = g_hi - g_lo

    def build_idx(j, posr, gidr):
      first = g_lo + 1 + j * CH
      for k in range(CH // L):
        g = jnp.minimum(first + k * L + lax.iota(jnp.int32, L), g_hi)
        lo = jnp.zeros((L,), jnp.int32) + H
        hi = jnp.zeros((L,), jnp.int32) + (chunk + H - 1)
        for _ in range(search_iters):
          mid = (lo + hi) >> 1
          less = plsc.load_gather(chunk_v, [mid]) < g
          lo = jnp.where(less, mid + 1, lo)
          hi = jnp.where(less, hi, mid)
        pos = base + lo - H + plsc.load_gather(ego_v, [g])
        posr[0, pl.ds(k * L, L)] = pos
        gidr[0, pl.ds(k * L, L)] = g

    @pl.when(gcnt > 0)
    def _():
      n_slabs = (gcnt + CH - 1) // CH
      build_idx(0, pos0, gid0)
      pltpu.async_copy(gnn_x.at[pos0.at[0]], rows0, sem_g)

      def step(j, cur_pos, cur_gid, cur_rows, nxt_pos, nxt_gid, nxt_rows):
        pltpu.make_async_copy(gnn_x.at[cur_pos.at[0]], cur_rows, sem_g).wait()

        @pl.when(j + 1 < n_slabs)
        def _():
          build_idx(j + 1, nxt_pos, nxt_gid)
          pltpu.async_copy(gnn_x.at[nxt_pos.at[0]], nxt_rows, sem_g)

        pltpu.async_copy(cur_rows, dsx_out.at[cur_gid.at[0]], sem_s).wait()

      def slab(j, carry):
        @pl.when(j % 2 == 0)
        def _():
          step(j, pos0, gid0, rows0, pos1, gid1, rows1)

        @pl.when(j % 2 == 1)
        def _():
          step(j, pos1, gid1, rows1, pos0, gid0, rows0)

        return carry

      lax.fori_loop(0, n_slabs, slab, jnp.int32(0))

  return sc_gather


def _tc_route_body(n_experts, out_ch, f1, dsx_ref, wc_ref, wo_ref, out_ref):
  ds = dsx_ref[...]
  scores = lax.dot_general(ds, wc_ref[...], (((1,), (1,)), ((), ())),
                           preferred_element_type=jnp.float32)
  mx = jnp.max(scores, axis=1, keepdims=True)
  col = lax.broadcasted_iota(jnp.int32, scores.shape, 1)
  cidx = jnp.min(jnp.where(scores == mx, col, n_experts), axis=1,
                 keepdims=True)
  p_all = lax.dot_general(ds, wo_ref[...], (((1,), (1,)), ((), ())),
                          preferred_element_type=jnp.float32)
  grp = lax.broadcasted_iota(jnp.int32, p_all.shape, 1) // out_ch
  masked = jnp.where(grp == cidx, p_all, 0.0)
  f2 = n_experts // f1
  w1 = f2 * out_ch
  t = masked[:, 0:w1]
  for s2 in range(1, f1):
    t = t + masked[:, s2 * w1:(s2 + 1) * w1]
  acc = t[:, 0:out_ch]
  for e in range(1, f2):
    acc = acc + t[:, e * out_ch:(e + 1) * out_ch]
  out_ref[...] = acc


def kernel(gnn_x, batch, ego_idx, W_center, W_out):
  n_nodes, d_in = gnn_x.shape
  n_graphs = ego_idx.shape[0]
  n_experts, out_ch, _ = W_out.shape

  batch = batch.astype(jnp.int32)
  ego = ego_idx.astype(jnp.int32)

  n_workers = 32
  chunk = -(-n_nodes // (n_workers * L)) * L
  search_iters = max(1, (chunk - 1).bit_length())

  sc_gather = _make_sc_gather(n_nodes, n_graphs, d_in, chunk, n_workers,
                              search_iters)
  ds_x = sc_gather(batch, ego, gnn_x)

  wo_flat = W_out.reshape(n_experts * out_ch, d_in)
  f1 = max(d for d in range(1, int(n_experts**0.5) + 1) if n_experts % d == 0)
  bt = 1024
  grid = n_graphs // bt
  logits = pl.pallas_call(
      functools.partial(_tc_route_body, n_experts, out_ch, f1),
      grid=(grid,),
      in_specs=[
          pl.BlockSpec((bt, d_in), lambda i: (i, 0)),
          pl.BlockSpec((n_experts, d_in), lambda i: (0, 0)),
          pl.BlockSpec((n_experts * out_ch, d_in), lambda i: (0, 0)),
      ],
      out_specs=pl.BlockSpec((bt, out_ch), lambda i: (i, 0)),
      out_shape=jax.ShapeDtypeStruct((n_graphs, out_ch), jnp.float32),
  )(ds_x, W_center, wo_flat)
  return logits

# --- scband reference (transcript-rebuilt; emitter-appended) ---
"""Pipeline reference for scband-gppt-72421738545551 (READ-ONLY COPY).

The authoritative reference and input builder live on the scoring server;
editing this copy changes nothing except your own understanding.
"""

import jax, jax.numpy as jnp
import numpy as np

N_NODES = 100000
D_IN = 128
N_GRAPHS = 4096
NUM_CENTERS = 64
OUT_CH = 64


def setup_inputs(seed: int = 0) -> dict:
    key = jax.random.key(seed)
    k1, k2, k3, k4 = jax.random.split(key, 4)
    gnn_x = jax.random.normal(k1, (N_NODES, D_IN), dtype=jnp.float32)
    # batch: sorted segment ids over nodes; guarantee every graph id appears at least once
    extra = jax.random.randint(k2, (N_NODES - N_GRAPHS,), 0, N_GRAPHS)
    batch = jnp.sort(jnp.concatenate([jnp.arange(N_GRAPHS, dtype=extra.dtype), extra]))
    # ego index offset within each graph (position 0 of each graph, always in-range)
    ego_idx = jnp.zeros((N_GRAPHS,), dtype=batch.dtype)
    # learned params: center_classifier (Linear no bias) and per-center output classifiers
    W_center = jax.random.normal(k3, (NUM_CENTERS, D_IN), dtype=jnp.float32) * 0.05
    W_out = jax.random.normal(k4, (NUM_CENTERS, OUT_CH, D_IN), dtype=jnp.float32) * 0.05
    return {"gnn_x": gnn_x, "batch": batch, "ego_idx": ego_idx, "W_center": W_center, "W_out": W_out}


def reference(gnn_x, batch, ego_idx, W_center, W_out):
    # get_ds_x (with_neighbor=False):
    # diff_idxs = positions where batch id changes (torch.roll semantics: element 0 always a boundary
    # since batch[-1] != batch[0])
    rolled = jnp.roll(batch, 1)
    diff_idxs = jnp.nonzero(rolled != batch, size=ego_idx.shape[0])[0]
    ego_idxs = diff_idxs + ego_idx
    ds_x = gnn_x[ego_idxs]  # gather: [N_GRAPHS, D_IN]
    # center_classifier: Linear(in, num_centers, bias=False)
    center_scores = ds_x @ W_center.T  # [N_GRAPHS, NUM_CENTERS]
    center_idx = jnp.argmax(center_scores, axis=1)  # top-1 routing
    # per-token expert linear: logits[mask] = output_classifier[i](ds_x[mask])
    We = W_out[center_idx]  # gather expert weights: [N_GRAPHS, OUT_CH, D_IN]
    logits = jnp.einsum('bi,boi->bo', ds_x, We)
    return logits

if __name__ == "__main__":
    import jax
    _d = setup_inputs()
    print(jax.jit(kernel)(*tuple(_d.values())))

</pallas_src>

<mosaic_0001>
#map = affine_map<(d0, d1) -> (0)>
#map1 = affine_map<(d0, d1) -> (0, 0)>
module attributes {stable_mosaic.version = 14 : i64} {
  func.func @sc_gather(%arg0: i32, %arg1: i32, %arg2: memref<100000xi32, #tpu.memory_space<hbm>>, %arg3: memref<4096xi32, #tpu.memory_space<hbm>>, %arg4: memref<100000x128xf32, #tpu.memory_space<hbm>>, %arg5: memref<4096x128xf32, #tpu.memory_space<hbm>>, %arg6: memref<3168xi32, #tpu.memory_space<vmem>>, %arg7: memref<4096xi32, #tpu.memory_space<vmem>>, %arg8: memref<1x16xi32, #tpu.memory_space<vmem>>, %arg9: memref<1x16xi32, #tpu.memory_space<vmem>>, %arg10: memref<1x16xi32, #tpu.memory_space<vmem>>, %arg11: memref<1x16xi32, #tpu.memory_space<vmem>>, %arg12: memref<16x128xf32, #tpu.memory_space<vmem>>, %arg13: memref<16x128xf32, #tpu.memory_space<vmem>>, %arg14: memref<!tpu.dma_semaphore, #tpu.memory_space<semaphore_mem>>, %arg15: memref<!tpu.dma_semaphore, #tpu.memory_space<semaphore_mem>>, %arg16: memref<!tpu.dma_semaphore, #tpu.memory_space<semaphore_mem>>) attributes {dimension_semantics = [#tpu.dimension_semantics<core_parallel>, #tpu.dimension_semantics<subcore_parallel>], iteration_bounds = array<i64: 2, 16>, scalar_prefetch = 0 : i64, scratch_operands = 11 : i64, tpu.core_type = #tpu.core_type<sc_vector_subcore>, window_params = [{transform_indices = #map}, {transform_indices = #map}, {transform_indices = #map1}, {transform_indices = #map1}]} {
    %mul3A = arith.constant 2 : i32
    %mul3A_0 = arith.muli %arg1, %mul3A : i32
    %add3A = arith.addi %mul3A_0, %arg0 : i32
    %mul3A_1 = arith.constant 3136 : i32
    %mul3A_2 = arith.muli %add3A, %mul3A_1 : i32
    tpu.enqueue_dma source(%arg3 : memref<4096xi32, #tpu.memory_space<hbm>>) target(%arg7 : memref<4096xi32, #tpu.memory_space<vmem>>) target_semaphore(%arg14 : memref<!tpu.dma_semaphore, #tpu.memory_space<semaphore_mem>>)
    %eq3A = arith.constant 0 : i32
    %eq3A_3 = arith.cmpi eq, %add3A, %eq3A : i32
    %convert_element_type3A = arith.extui %eq3A_3 : i1 to i32
    %cond3A = arith.constant 0 : i32
    %cond3A_4 = arith.cmpi ne, %convert_element_type3A, %cond3A : i32
    scf.if %cond3A_4 {
      %dma_start3A = arith.constant 8 : i32
      %dma_start3A_27 = tpu.memref_slice %arg6[%dma_start3A] : memref<3168xi32, #tpu.memory_space<vmem>> -> memref<3144xi32, #tpu.memory_space<vmem>>
      %dma_start3A_28 = arith.constant 0 : i32
      %dma_start3A_29 = tpu.memref_slice %arg2[%dma_start3A_28] : memref<100000xi32, #tpu.memory_space<hbm>> -> memref<3144xi32, #tpu.memory_space<hbm>>
      %dma_start3A_30 = arith.constant 8 : i32
      %dma_start3A_31 = tpu.memref_slice %arg6[%dma_start3A_30] : memref<3168xi32, #tpu.memory_space<vmem>> -> memref<3144xi32, #tpu.memory_space<vmem>>
      %dma_start3A_32 = arith.constant 0 : i32
      %dma_start3A_33 = tpu.memref_slice %arg2[%dma_start3A_32] : memref<100000xi32, #tpu.memory_space<hbm>> -> memref<3144xi32, #tpu.memory_space<hbm>>
      tpu.enqueue_dma source(%dma_start3A_33 : memref<3144xi32, #tpu.memory_space<hbm>>) target(%dma_start3A_31 : memref<3144xi32, #tpu.memory_space<vmem>>) target_semaphore(%arg15 : memref<!tpu.dma_semaphore, #tpu.memory_space<semaphore_mem>>)
      %dma_wait3A = arith.constant 8 : i32
      %dma_wait3A_34 = tpu.memref_slice %arg6[%dma_wait3A] : memref<3168xi32, #tpu.memory_space<vmem>> -> memref<3144xi32, #tpu.memory_space<vmem>>
      %dma_wait3A_35 = arith.constant 0 : i32
      %dma_wait3A_36 = tpu.memref_slice %arg2[%dma_wait3A_35] : memref<100000xi32, #tpu.memory_space<hbm>> -> memref<3144xi32, #tpu.memory_space<hbm>>
      %dma_wait3A_37 = arith.constant 8 : i32
      %dma_wait3A_38 = tpu.memref_slice %arg6[%dma_wait3A_37] : memref<3168xi32, #tpu.memory_space<vmem>> -> memref<3144xi32, #tpu.memory_space<vmem>>
      %dma_wait3A_39 = arith.constant 0 : i32
      %dma_wait3A_40 = tpu.memref_slice %arg2[%dma_wait3A_39] : memref<100000xi32, #tpu.memory_space<hbm>> -> memref<3144xi32, #tpu.memory_space<hbm>>
      tpu.wait_dma2 semaphore(%arg15 : memref<!tpu.dma_semaphore, #tpu.memory_space<semaphore_mem>>) src(%dma_wait3A_40 : memref<3144xi32, #tpu.memory_space<hbm>>) dst(%dma_wait3A_38 : memref<3144xi32, #tpu.memory_space<vmem>>)
    } else {
    }
    %gt3A = arith.constant 0 : i32
    %gt3A_5 = arith.cmpi sgt, %add3A, %gt3A : i32
    %lt3A = arith.constant 31 : i32
    %lt3A_6 = arith.cmpi slt, %add3A, %lt3A : i32
    %and3A = arith.andi %gt3A_5, %lt3A_6 : i1
    %convert_element_type3A_7 = arith.extui %and3A : i1 to i32
    %cond3A_8 = arith.constant 0 : i32
    %cond3A_9 = arith.cmpi ne, %convert_element_type3A_7, %cond3A_8 : i32
    scf.if %cond3A_9 {
      %sub3A_27 = arith.constant 8 : i32
      %sub3A_28 = arith.subi %mul3A_2, %sub3A_27 : i32
      %dma_start3A = arith.constant 0 : i32
      %dma_start3A_29 = tpu.memref_slice %arg6[%dma_start3A] : memref<3168xi32, #tpu.memory_space<vmem>> -> memref<3152xi32, #tpu.memory_space<vmem>>
      %dma_start3A_30 = tpu.memref_slice %arg2[%sub3A_28] : memref<100000xi32, #tpu.memory_space<hbm>> -> memref<3152xi32, #tpu.memory_space<hbm>>
      %dma_start3A_31 = arith.constant 0 : i32
      %dma_start3A_32 = tpu.memref_slice %arg6[%dma_start3A_31] : memref<3168xi32, #tpu.memory_space<vmem>> -> memref<3152xi32, #tpu.memory_space<vmem>>
      %dma_start3A_33 = tpu.memref_slice %arg2[%sub3A_28] : memref<100000xi32, #tpu.memory_space<hbm>> -> memref<3152xi32, #tpu.memory_space<hbm>>
      tpu.enqueue_dma source(%dma_start3A_33 : memref<3152xi32, #tpu.memory_space<hbm>>) target(%dma_start3A_32 : memref<3152xi32, #tpu.memory_space<vmem>>) target_semaphore(%arg15 : memref<!tpu.dma_semaphore, #tpu.memory_space<semaphore_mem>>)
      %dma_wait3A = arith.constant 0 : i32
      %dma_wait3A_34 = tpu.memref_slice %arg6[%dma_wait3A] : memref<3168xi32, #tpu.memory_space<vmem>> -> memref<3152xi32, #tpu.memory_space<vmem>>
      %dma_wait3A_35 = tpu.memref_slice %arg2[%sub3A_28] : memref<100000xi32, #tpu.memory_space<hbm>> -> memref<3152xi32, #tpu.memory_space<hbm>>
      %dma_wait3A_36 = arith.constant 0 : i32
      %dma_wait3A_37 = tpu.memref_slice %arg6[%dma_wait3A_36] : memref<3168xi32, #tpu.memory_space<vmem>> -> memref<3152xi32, #tpu.memory_space<vmem>>
      %dma_wait3A_38 = tpu.memref_slice %arg2[%sub3A_28] : memref<100000xi32, #tpu.memory_space<hbm>> -> memref<3152xi32, #tpu.memory_space<hbm>>
      tpu.wait_dma2 semaphore(%arg15 : memref<!tpu.dma_semaphore, #tpu.memory_space<semaphore_mem>>) src(%dma_wait3A_38 : memref<3152xi32, #tpu.memory_space<hbm>>) dst(%dma_wait3A_37 : memref<3152xi32, #tpu.memory_space<vmem>>)
    } else {
    }
    %eq3A_10 = arith.constant 31 : i32
    %eq3A_11 = arith.cmpi eq, %add3A, %eq3A_10 : i32
    %convert_element_type3A_12 = arith.extui %eq3A_11 : i1 to i32
    %cond3A_13 = arith.constant 0 : i32
    %cond3A_14 = arith.cmpi ne, %convert_element_type3A_12, %cond3A_13 : i32
    scf.if %cond3A_14 {
      %dma_start3A = arith.constant 0 : i32
      %dma_start3A_27 = tpu.memref_slice %arg6[%dma_start3A] : memref<3168xi32, #tpu.memory_space<vmem>> -> memref<2792xi32, #tpu.memory_space<vmem>>
      %dma_start3A_28 = arith.constant 97208 : i32
      %dma_start3A_29 = tpu.memref_slice %arg2[%dma_start3A_28] : memref<100000xi32, #tpu.memory_space<hbm>> -> memref<2792xi32, #tpu.memory_space<hbm>>
      %dma_start3A_30 = arith.constant 0 : i32
      %dma_start3A_31 = tpu.memref_slice %arg6[%dma_start3A_30] : memref<3168xi32, #tpu.memory_space<vmem>> -> memref<2792xi32, #tpu.memory_space<vmem>>
      %dma_start3A_32 = arith.constant 97208 : i32
      %dma_start3A_33 = tpu.memref_slice %arg2[%dma_start3A_32] : memref<100000xi32, #tpu.memory_space<hbm>> -> memref<2792xi32, #tpu.memory_space<hbm>>
      tpu.enqueue_dma source(%dma_start3A_33 : memref<2792xi32, #tpu.memory_space<hbm>>) target(%dma_start3A_31 : memref<2792xi32, #tpu.memory_space<vmem>>) target_semaphore(%arg15 : memref<!tpu.dma_semaphore, #tpu.memory_space<semaphore_mem>>)
      %dma_wait3A = arith.constant 0 : i32
      %dma_wait3A_34 = tpu.memref_slice %arg6[%dma_wait3A] : memref<3168xi32, #tpu.memory_space<vmem>> -> memref<2792xi32, #tpu.memory_space<vmem>>
      %dma_wait3A_35 = arith.constant 97208 : i32
      %dma_wait3A_36 = tpu.memref_slice %arg2[%dma_wait3A_35] : memref<100000xi32, #tpu.memory_space<hbm>> -> memref<2792xi32, #tpu.memory_space<hbm>>
      %dma_wait3A_37 = arith.constant 0 : i32
      %dma_wait3A_38 = tpu.memref_slice %arg6[%dma_wait3A_37] : memref<3168xi32, #tpu.memory_space<vmem>> -> memref<2792xi32, #tpu.memory_space<vmem>>
      %dma_wait3A_39 = arith.constant 97208 : i32
      %dma_wait3A_40 = tpu.memref_slice %arg2[%dma_wait3A_39] : memref<100000xi32, #tpu.memory_space<hbm>> -> memref<2792xi32, #tpu.memory_space<hbm>>
      tpu.wait_dma2 semaphore(%arg15 : memref<!tpu.dma_semaphore, #tpu.memory_space<semaphore_mem>>) src(%dma_wait3A_40 : memref<2792xi32, #tpu.memory_space<hbm>>) dst(%dma_wait3A_38 : memref<2792xi32, #tpu.memory_space<vmem>>)
      %broadcast_in_dim3A = arith.constant 0 : i32
      %broadcast_in_dim3A_41 = vector.broadcast %broadcast_in_dim3A : i32 to vector<16xi32>
      %get3A_42 = arith.constant 2776 : index
      %get3A_43 = tpu.vector_load %arg6[%get3A_42] {strides = array<i32>} : memref<3168xi32, #tpu.memory_space<vmem>>, vector<16xi32>,
      %slice3A_44 = vector.extract_strided_slice %get3A_43 {offsets = [15], sizes = [1], strides = [1]} : vector<16xi32> to vector<1xi32>
      %squeeze3A_45 = vector.extract %slice3A_44[0] : i32 from vector<1xi32>
      %add3A_46 = vector.broadcast %squeeze3A_45 : i32 to vector<16xi32>
      %add3A_47 = arith.addi %broadcast_in_dim3A_41, %add3A_46 : vector<16xi32>
      %swap3A = arith.constant 2792 : index
      %swap3A_48 = tpu.vector_load %arg6[%swap3A] {strides = array<i32>} : memref<3168xi32, #tpu.memory_space<vmem>>, vector<16xi32>,
      tpu.vector_store %arg6[%swap3A], %add3A_47 {strides = array<i32>} : memref<3168xi32, #tpu.memory_space<vmem>>, vector<16xi32>,
      %swap3A_49 = arith.constant 2808 : index
      %swap3A_50 = tpu.vector_load %arg6[%swap3A_49] {strides = array<i32>} : memref<3168xi32, #tpu.memory_space<vmem>>, vector<16xi32>,
      tpu.vector_store %arg6[%swap3A_49], %add3A_47 {strides = array<i32>} : memref<3168xi32, #tpu.memory_space<vmem>>, vector<16xi32>,
      %swap3A_51 = arith.constant 2824 : index
      %swap3A_52 = tpu.vector_load %arg6[%swap3A_51] {strides = array<i32>} : memref<3168xi32, #tpu.memory_space<vmem>>, vector<16xi32>,
      tpu.vector_store %arg6[%swap3A_51], %add3A_47 {strides = array<i32>} : memref<3168xi32, #tpu.memory_space<vmem>>, vector<16xi32>,
      %swap3A_53 = arith.constant 2840 : index
      %swap3A_54 = tpu.vector_load %arg6[%swap3A_53] {strides = array<i32>} : memref<3168xi32, #tpu.memory_space<vmem>>, vector<16xi32>,
      tpu.vector_store %arg6[%swap3A_53], %add3A_47 {strides = array<i32>} : memref<3168xi32, #tpu.memory_space<vmem>>, vector<16xi32>,
      %swap3A_55 = arith.constant 2856 : index
      %swap3A_56 = tpu.vector_load %arg6[%swap3A_55] {strides = array<i32>} : memref<3168xi32, #tpu.memory_space<vmem>>, vector<16xi32>,
      tpu.vector_store %arg6[%swap3A_55], %add3A_47 {strides = array<i32>} : memref<3168xi32, #tpu.memory_space<vmem>>, vector<16xi32>,
      %swap3A_57 = arith.constant 2872 : index
      %swap3A_58 = tpu.vector_load %arg6[%swap3A_57] {strides = array<i32>} : memref<3168xi32, #tpu.memory_space<vmem>>, vector<16xi32>,
      tpu.vector_store %arg6[%swap3A_57], %add3A_47 {strides = array<i32>} : memref<3168xi32, #tpu.memory_space<vmem>>, vector<16xi32>,
      %swap3A_59 = arith.constant 2888 : index
      %swap3A_60 = tpu.vector_load %arg6[%swap3A_59] {strides = array<i32>} : memref<3168xi32, #tpu.memory_space<vmem>>, vector<16xi32>,
      tpu.vector_store %arg6[%swap3A_59], %add3A_47 {strides = array<i32>} : memref<3168xi32, #tpu.memory_space<vmem>>, vector<16xi32>,
      %swap3A_61 = arith.constant 2904 : index
      %swap3A_62 = tpu.vector_load %arg6[%swap3A_61] {strides = array<i32>} : memref<3168xi32, #tpu.memory_space<vmem>>, vector<16xi32>,
      tpu.vector_store %arg6[%swap3A_61], %add3A_47 {strides = array<i32>} : memref<3168xi32, #tpu.memory_space<vmem>>, vector<16xi32>,
      %swap3A_63 = arith.constant 2920 : index
      %swap3A_64 = tpu.vector_load %arg6[%swap3A_63] {strides = array<i32>} : memref<3168xi32, #tpu.memory_space<vmem>>, vector<16xi32>,
      tpu.vector_store %arg6[%swap3A_63], %add3A_47 {strides = array<i32>} : memref<3168xi32, #tpu.memory_space<vmem>>, vector<16xi32>,
      %swap3A_65 = arith.constant 2936 : index
      %swap3A_66 = tpu.vector_load %arg6[%swap3A_65] {strides = array<i32>} : memref<3168xi32, #tpu.memory_space<vmem>>, vector<16xi32>,
      tpu.vector_store %arg6[%swap3A_65], %add3A_47 {strides = array<i32>} : memref<3168xi32, #tpu.memory_space<vmem>>, vector<16xi32>,
      %swap3A_67 = arith.constant 2952 : index
      %swap3A_68 = tpu.vector_load %arg6[%swap3A_67] {strides = array<i32>} : memref<3168xi32, #tpu.memory_space<vmem>>, vector<16xi32>,
      tpu.vector_store %arg6[%swap3A_67], %add3A_47 {strides = array<i32>} : memref<3168xi32, #tpu.memory_space<vmem>>, vector<16xi32>,
      %swap3A_69 = arith.constant 2968 : index
      %swap3A_70 = tpu.vector_load %arg6[%swap3A_69] {strides = array<i32>} : memref<3168xi32, #tpu.memory_space<vmem>>, vector<16xi32>,
      tpu.vector_store %arg6[%swap3A_69], %add3A_47 {strides = array<i32>} : memref<3168xi32, #tpu.memory_space<vmem>>, vector<16xi32>,
      %swap3A_71 = arith.constant 2984 : index
      %swap3A_72 = tpu.vector_load %arg6[%swap3A_71] {strides = array<i32>} : memref<3168xi32, #tpu.memory_space<vmem>>, vector<16xi32>,
      tpu.vector_store %arg6[%swap3A_71], %add3A_47 {strides = array<i32>} : memref<3168xi32, #tpu.memory_space<vmem>>, vector<16xi32>,
      %swap3A_73 = arith.constant 3000 : index
      %swap3A_74 = tpu.vector_load %arg6[%swap3A_73] {strides = array<i32>} : memref<3168xi32, #tpu.memory_space<vmem>>, vector<16xi32>,
      tpu.vector_store %arg6[%swap3A_73], %add3A_47 {strides = array<i32>} : memref<3168xi32, #tpu.memory_space<vmem>>, vector<16xi32>,
      %swap3A_75 = arith.constant 3016 : index
      %swap3A_76 = tpu.vector_load %arg6[%swap3A_75] {strides = array<i32>} : memref<3168xi32, #tpu.memory_space<vmem>>, vector<16xi32>,
      tpu.vector_store %arg6[%swap3A_75], %add3A_47 {strides = array<i32>} : memref<3168xi32, #tpu.memory_space<vmem>>, vector<16xi32>,
      %swap3A_77 = arith.constant 3032 : index
      %swap3A_78 = tpu.vector_load %arg6[%swap3A_77] {strides = array<i32>} : memref<3168xi32, #tpu.memory_space<vmem>>, vector<16xi32>,
      tpu.vector_store %arg6[%swap3A_77], %add3A_47 {strides = array<i32>} : memref<3168xi32, #tpu.memory_space<vmem>>, vector<16xi32>,
      %swap3A_79 = arith.constant 3048 : index
      %swap3A_80 = tpu.vector_load %arg6[%swap3A_79] {strides = array<i32>} : memref<3168xi32, #tpu.memory_space<vmem>>, vector<16xi32>,
      tpu.vector_store %arg6[%swap3A_79], %add3A_47 {strides = array<i32>} : memref<3168xi32, #tpu.memory_space<vmem>>, vector<16xi32>,
      %swap3A_81 = arith.constant 3064 : index
      %swap3A_82 = tpu.vector_load %arg6[%swap3A_81] {strides = array<i32>} : memref<3168xi32, #tpu.memory_space<vmem>>, vector<16xi32>,
      tpu.vector_store %arg6[%swap3A_81], %add3A_47 {strides = array<i32>} : memref<3168xi32, #tpu.memory_space<vmem>>, vector<16xi32>,
      %swap3A_83 = arith.constant 3080 : index
      %swap3A_84 = tpu.vector_load %arg6[%swap3A_83] {strides = array<i32>} : memref<3168xi32, #tpu.memory_space<vmem>>, vector<16xi32>,
      tpu.vector_store %arg6[%swap3A_83], %add3A_47 {strides = array<i32>} : memref<3168xi32, #tpu.memory_space<vmem>>, vector<16xi32>,
      %swap3A_85 = arith.constant 3096 : index
      %swap3A_86 = tpu.vector_load %arg6[%swap3A_85] {strides = array<i32>} : memref<3168xi32, #tpu.memory_space<vmem>>, vector<16xi32>,
      tpu.vector_store %arg6[%swap3A_85], %add3A_47 {strides = array<i32>} : memref<3168xi32, #tpu.memory_space<vmem>>, vector<16xi32>,
      %swap3A_87 = arith.constant 3112 : index
      %swap3A_88 = tpu.vector_load %arg6[%swap3A_87] {strides = array<i32>} : memref<3168xi32, #tpu.memory_space<vmem>>, vector<16xi32>,
      tpu.vector_store %arg6[%swap3A_87], %add3A_47 {strides = array<i32>} : memref<3168xi32, #tpu.memory_space<vmem>>, vector<16xi32>,
      %swap3A_89 = arith.constant 3128 : index
      %swap3A_90 = tpu.vector_load %arg6[%swap3A_89] {strides = array<i32>} : memref<3168xi32, #tpu.memory_space<vmem>>, vector<16xi32>,
      tpu.vector_store %arg6[%swap3A_89], %add3A_47 {strides = array<i32>} : memref<3168xi32, #tpu.memory_space<vmem>>, vector<16xi32>,
      %swap3A_91 = arith.constant 3144 : index
      %swap3A_92 = tpu.vector_load %arg6[%swap3A_91] {strides = array<i32>} : memref<3168xi32, #tpu.memory_space<vmem>>, vector<16xi32>,
      tpu.vector_store %arg6[%swap3A_91], %add3A_47 {strides = array<i32>} : memref<3168xi32, #tpu.memory_space<vmem>>, vector<16xi32>,
    } else {
    }
    tpu.wait_dma2 semaphore(%arg14 : memref<!tpu.dma_semaphore, #tpu.memory_space<semaphore_mem>>) src(%arg3 : memref<4096xi32, #tpu.memory_space<hbm>>) dst(%arg7 : memref<4096xi32, #tpu.memory_space<vmem>>)
    %get3A = arith.constant 0 : index
    %get3A_15 = tpu.vector_load %arg6[%get3A] {strides = array<i32>} : memref<3168xi32, #tpu.memory_space<vmem>>, vector<16xi32>,
    %slice3A = vector.extract_strided_slice %get3A_15 {offsets = [7], sizes = [1], strides = [1]} : vector<16xi32> to vector<1xi32>
    %squeeze3A = vector.extract %slice3A[0] : i32 from vector<1xi32>
    %eq3A_16 = arith.constant 0 : i32
    %eq3A_17 = arith.cmpi eq, %add3A, %eq3A_16 : i32
    %jit3A = arith.constant -1 : i32
    %select_n3A = arith.select %eq3A_17, %jit3A, %squeeze3A : i32
    %get3A_18 = arith.constant 3136 : index
    %get3A_19 = tpu.vector_load %arg6[%get3A_18] {strides = array<i32>} : memref<3168xi32, #tpu.memory_space<vmem>>, vector<16xi32>,
    %slice3A_20 = vector.extract_strided_slice %get3A_19 {offsets = [7], sizes = [1], strides = [1]} : vector<16xi32> to vector<1xi32>
    %squeeze3A_21 = vector.extract %slice3A_20[0] : i32 from vector<1xi32>
    %sub3A = arith.subi %squeeze3A_21, %select_n3A : i32
    %gt3A_22 = arith.constant 0 : i32
    %gt3A_23 = arith.cmpi sgt, %sub3A, %gt3A_22 : i32
    %convert_element_type3A_24 = arith.extui %gt3A_23 : i1 to i32
    %cond3A_25 = arith.constant 0 : i32
    %cond3A_26 = arith.cmpi ne, %convert_element_type3A_24, %cond3A_25 : i32
    scf.if %cond3A_26 {
      %add3A_27 = arith.constant 16 : i32
      %add3A_28 = arith.addi %sub3A, %add3A_27 : i32
      %sub3A_29 = arith.constant 1 : i32
      %sub3A_30 = arith.subi %add3A_28, %sub3A_29 : i32
      %jit3A_31 = arith.constant 16 : i32
      %div3A = arith.divsi %sub3A_30, %jit3A_31 : i32
      %sign3A = arith.constant 0 : i32
      %sign3A_32 = arith.cmpi sgt, %sub3A_30, %sign3A : i32
      %sign3A_33 = arith.extui %sign3A_32 : i1 to i32
      %sign3A_34 = arith.constant 0 : i32
      %sign3A_35 = arith.cmpi slt, %sub3A_30, %sign3A_34 : i32
      %sign3A_36 = arith.extui %sign3A_35 : i1 to i32
      %sign3A_37 = arith.subi %sign3A_33, %sign3A_36 : i32
      %sign3A_38 = arith.constant 0 : i32
      %sign3A_39 = arith.cmpi sgt, %jit3A_31, %sign3A_38 : i32
      %sign3A_40 = arith.extui %sign3A_39 : i1 to i32
      %sign3A_41 = arith.constant 0 : i32
      %sign3A_42 = arith.cmpi slt, %jit3A_31, %sign3A_41 : i32
      %sign3A_43 = arith.extui %sign3A_42 : i1 to i32
      %sign3A_44 = arith.subi %sign3A_40, %sign3A_43 : i32
      %ne3A = arith.cmpi ne, %sign3A_37, %sign3A_44 : i32
      %rem3A = arith.remsi %sub3A_30, %jit3A_31 : i32
      %ne3A_45 = arith.constant 0 : i32
      %ne3A_46 = arith.cmpi ne, %rem3A, %ne3A_45 : i32
      %and3A_47 = arith.andi %ne3A, %ne3A_46 : i1
      %sub3A_48 = arith.constant 1 : i32
      %sub3A_49 = arith.subi %div3A, %sub3A_48 : i32
      %select_n3A_50 = arith.select %and3A_47, %sub3A_49, %div3A : i32
      %add3A_51 = arith.constant 1 : i32
      %add3A_52 = arith.addi %select_n3A, %add3A_51 : i32
      %add3A_53 = arith.constant 0 : i32
      %add3A_54 = arith.addi %add3A_52, %add3A_53 : i32
      %add3A_55 = arith.constant 0 : i32
      %add3A_56 = arith.addi %add3A_54, %add3A_55 : i32
      %iota3A = tpu.iota {dimensions = array<i32: 0>} : vector<16xi32>
      %add3A_57 = vector.broadcast %add3A_56 : i32 to vector<16xi32>
      %add3A_58 = arith.addi %add3A_57, %iota3A : vector<16xi32>
      %min3A = vector.broadcast %squeeze3A_21 : i32 to vector<16xi32>
      %min3A_59 = arith.minsi %add3A_58, %min3A : vector<16xi32>
      %broadcast_in_dim3A = arith.constant 0 : i32
      %broadcast_in_dim3A_60 = vector.broadcast %broadcast_in_dim3A : i32 to vector<16xi32>
      %add3A_61 = arith.constant 8 : i32
      %add3A_62 = vector.broadcast %add3A_61 : i32 to vector<16xi32>
      %add3A_63 = arith.addi %broadcast_in_dim3A_60, %add3A_62 : vector<16xi32>
      %broadcast_in_dim3A_64 = arith.constant 0 : i32
      %broadcast_in_dim3A_65 = vector.broadcast %broadcast_in_dim3A_64 : i32 to vector<16xi32>
      %add3A_66 = arith.constant 3143 : i32
      %add3A_67 = vector.broadcast %add3A_66 : i32 to vector<16xi32>
      %add3A_68 = arith.addi %broadcast_in_dim3A_65, %add3A_67 : vector<16xi32>
      %add3A_69 = arith.addi %add3A_63, %add3A_68 : vector<16xi32>
      %shift_right_arithmetic3A = arith.constant 1 : i32
      %shift_right_arithmetic3A_70 = vector.broadcast %shift_right_arithmetic3A : i32 to vector<16xi32>
      %shift_right_arithmetic3A_71 = arith.shrsi %add3A_69, %shift_right_arithmetic3A_70 : vector<16xi32>
      %gather3A = tpu.vector_load_idx %arg6[%shift_right_arithmetic3A_71] : memref<3168xi32, #tpu.memory_space<vmem>>[vector<16xi32>], vector<16xi32>,
      %lt3A_72 = arith.cmpi slt, %gather3A, %min3A_59 : vector<16xi32>
      %add3A_73 = arith.constant 1 : i32
      %add3A_74 = vector.broadcast %add3A_73 : i32 to vector<16xi32>
      %add3A_75 = arith.addi %shift_right_arithmetic3A_71, %add3A_74 : vector<16xi32>
      %select_n3A_76 = arith.select %lt3A_72, %add3A_75, %add3A_63 : vector<16xi1>, vector<16xi32>
      %select_n3A_77 = arith.select %lt3A_72, %add3A_68, %shift_right_arithmetic3A_71 : vector<16xi1>, vector<16xi32>
      %add3A_78 = arith.addi %select_n3A_76, %select_n3A_77 : vector<16xi32>
      %shift_right_arithmetic3A_79 = arith.constant 1 : i32
      %shift_right_arithmetic3A_80 = vector.broadcast %shift_right_arithmetic3A_79 : i32 to vector<16xi32>
      %shift_right_arithmetic3A_81 = arith.shrsi %add3A_78, %shift_right_arithmetic3A_80 : vector<16xi32>
      %gather3A_82 = tpu.vector_load_idx %arg6[%shift_right_arithmetic3A_81] : memref<3168xi32, #tpu.memory_space<vmem>>[vector<16xi32>], vector<16xi32>,
      %lt3A_83 = arith.cmpi slt, %gather3A_82, %min3A_59 : vector<16xi32>
      %add3A_84 = arith.constant 1 : i32
      %add3A_85 = vector.broadcast %add3A_84 : i32 to vector<16xi32>
      %add3A_86 = arith.addi %shift_right_arithmetic3A_81, %add3A_85 : vector<16xi32>
      %select_n3A_87 = arith.select %lt3A_83, %add3A_86, %select_n3A_76 : vector<16xi1>, vector<16xi32>
      %select_n3A_88 = arith.select %lt3A_83, %select_n3A_77, %shift_right_arithmetic3A_81 : vector<16xi1>, vector<16xi32>
      %add3A_89 = arith.addi %select_n3A_87, %select_n3A_88 : vector<16xi32>
      %shift_right_arithmetic3A_90 = arith.constant 1 : i32
      %shift_right_arithmetic3A_91 = vector.broadcast %shift_right_arithmetic3A_90 : i32 to vector<16xi32>
      %shift_right_arithmetic3A_92 = arith.shrsi %add3A_89, %shift_right_arithmetic3A_91 : vector<16xi32>
      %gather3A_93 = tpu.vector_load_idx %arg6[%shift_right_arithmetic3A_92] : memref<3168xi32, #tpu.memory_space<vmem>>[vector<16xi32>], vector<16xi32>,
      %lt3A_94 = arith.cmpi slt, %gather3A_93, %min3A_59 : vector<16xi32>
      %add3A_95 = arith.constant 1 : i32
      %add3A_96 = vector.broadcast %add3A_95 : i32 to vector<16xi32>
      %add3A_97 = arith.addi %shift_right_arithmetic3A_92, %add3A_96 : vector<16xi32>
      %select_n3A_98 = arith.select %lt3A_94, %add3A_97, %select_n3A_87 : vector<16xi1>, vector<16xi32>
      %select_n3A_99 = arith.select %lt3A_94, %select_n3A_88, %shift_right_arithmetic3A_92 : vector<16xi1>, vector<16xi32>
      %add3A_100 = arith.addi %select_n3A_98, %select_n3A_99 : vector<16xi32>
      %shift_right_arithmetic3A_101 = arith.constant 1 : i32
      %shift_right_arithmetic3A_102 = vector.broadcast %shift_right_arithmetic3A_101 : i32 to vector<16xi32>
      %shift_right_arithmetic3A_103 = arith.shrsi %add3A_100, %shift_right_arithmetic3A_102 : vector<16xi32>
      %gather3A_104 = tpu.vector_load_idx %arg6[%shift_right_arithmetic3A_103] : memref<3168xi32, #tpu.memory_space<vmem>>[vector<16xi32>], vector<16xi32>,
      %lt3A_105 = arith.cmpi slt, %gather3A_104, %min3A_59 : vector<16xi32>
      %add3A_106 = arith.constant 1 : i32
      %add3A_107 = vector.broadcast %add3A_106 : i32 to vector<16xi32>
      %add3A_108 = arith.addi %shift_right_arithmetic3A_103, %add3A_107 : vector<16xi32>
      %select_n3A_109 = arith.select %lt3A_105, %add3A_108, %select_n3A_98 : vector<16xi1>, vector<16xi32>
      %select_n3A_110 = arith.select %lt3A_105, %select_n3A_99, %shift_right_arithmetic3A_103 : vector<16xi1>, vector<16xi32>
      %add3A_111 = arith.addi %select_n3A_109, %select_n3A_110 : vector<16xi32>
      %shift_right_arithmetic3A_112 = arith.constant 1 : i32
      %shift_right_arithmetic3A_113 = vector.broadcast %shift_right_arithmetic3A_112 : i32 to vector<16xi32>
      %shift_right_arithmetic3A_114 = arith.shrsi %add3A_111, %shift_right_arithmetic3A_113 : vector<16xi32>
      %gather3A_115 = tpu.vector_load_idx %arg6[%shift_right_arithmetic3A_114] : memref<3168xi32, #tpu.memory_space<vmem>>[vector<16xi32>], vector<16xi32>,
      %lt3A_116 = arith.cmpi slt, %gather3A_115, %min3A_59 : vector<16xi32>
      %add3A_117 = arith.constant 1 : i32
      %add3A_118 = vector.broadcast %add3A_117 : i32 to vector<16xi32>
      %add3A_119 = arith.addi %shift_right_arithmetic3A_114, %add3A_118 : vector<16xi32>
      %select_n3A_120 = arith.select %lt3A_116, %add3A_119, %select_n3A_109 : vector<16xi1>, vector<16xi32>
      %select_n3A_121 = arith.select %lt3A_116, %select_n3A_110, %shift_right_arithmetic3A_114 : vector<16xi1>, vector<16xi32>
      %add3A_122 = arith.addi %select_n3A_120, %select_n3A_121 : vector<16xi32>
      %shift_right_arithmetic3A_123 = arith.constant 1 : i32
      %shift_right_arithmetic3A_124 = vector.broadcast %shift_right_arithmetic3A_123 : i32 to vector<16xi32>
      %shift_right_arithmetic3A_125 = arith.shrsi %add3A_122, %shift_right_arithmetic3A_124 : vector<16xi32>
      %gather3A_126 = tpu.vector_load_idx %arg6[%shift_right_arithmetic3A_125] : memref<3168xi32, #tpu.memory_space<vmem>>[vector<16xi32>], vector<16xi32>,
      %lt3A_127 = arith.cmpi slt, %gather3A_126, %min3A_59 : vector<16xi32>
      %add3A_128 = arith.constant 1 : i32
      %add3A_129 = vector.broadcast %add3A_128 : i32 to vector<16xi32>
      %add3A_130 = arith.addi %shift_right_arithmetic3A_125, %add3A_129 : vector<16xi32>
      %select_n3A_131 = arith.select %lt3A_127, %add3A_130, %select_n3A_120 : vector<16xi1>, vector<16xi32>
      %select_n3A_132 = arith.select %lt3A_127, %select_n3A_121, %shift_right_arithmetic3A_125 : vector<16xi1>, vector<16xi32>
      %add3A_133 = arith.addi %select_n3A_131, %select_n3A_132 : vector<16xi32>
      %shift_right_arithmetic3A_134 = arith.constant 1 : i32
      %shift_right_arithmetic3A_135 = vector.broadcast %shift_right_arithmetic3A_134 : i32 to vector<16xi32>
      %shift_right_arithmetic3A_136 = arith.shrsi %add3A_133, %shift_right_arithmetic3A_135 : vector<16xi32>
      %gather3A_137 = tpu.vector_load_idx %arg6[%shift_right_arithmetic3A_136] : memref<3168xi32, #tpu.memory_space<vmem>>[vector<16xi32>], vector<16xi32>,
      %lt3A_138 = arith.cmpi slt, %gather3A_137, %min3A_59 : vector<16xi32>
      %add3A_139 = arith.constant 1 : i32
      %add3A_140 = vector.broadcast %add3A_139 : i32 to vector<16xi32>
      %add3A_141 = arith.addi %shift_right_arithmetic3A_136, %add3A_140 : vector<16xi32>
      %select_n3A_142 = arith.select %lt3A_138, %add3A_141, %select_n3A_131 : vector<16xi1>, vector<16xi32>
      %select_n3A_143 = arith.select %lt3A_138, %select_n3A_132, %shift_right_arithmetic3A_136 : vector<16xi1>, vector<16xi32>
      %add3A_144 = arith.addi %select_n3A_142, %select_n3A_143 : vector<16xi32>
      %shift_right_arithmetic3A_145 = arith.constant 1 : i32
      %shift_right_arithmetic3A_146 = vector.broadcast %shift_right_arithmetic3A_145 : i32 to vector<16xi32>
      %shift_right_arithmetic3A_147 = arith.shrsi %add3A_144, %shift_right_arithmetic3A_146 : vector<16xi32>
      %gather3A_148 = tpu.vector_load_idx %arg6[%shift_right_arithmetic3A_147] : memref<3168xi32, #tpu.memory_space<vmem>>[vector<16xi32>], vector<16xi32>,
      %lt3A_149 = arith.cmpi slt, %gather3A_148, %min3A_59 : vector<16xi32>
      %add3A_150 = arith.constant 1 : i32
      %add3A_151 = vector.broadcast %add3A_150 : i32 to vector<16xi32>
      %add3A_152 = arith.addi %shift_right_arithmetic3A_147, %add3A_151 : vector<16xi32>
      %select_n3A_153 = arith.select %lt3A_149, %add3A_152, %select_n3A_142 : vector<16xi1>, vector<16xi32>
      %select_n3A_154 = arith.select %lt3A_149, %select_n3A_143, %shift_right_arithmetic3A_147 : vector<16xi1>, vector<16xi32>
      %add3A_155 = arith.addi %select_n3A_153, %select_n3A_154 : vector<16xi32>
      %shift_right_arithmetic3A_156 = arith.constant 1 : i32
      %shift_right_arithmetic3A_157 = vector.broadcast %shift_right_arithmetic3A_156 : i32 to vector<16xi32>
      %shift_right_arithmetic3A_158 = arith.shrsi %add3A_155, %shift_right_arithmetic3A_157 : vector<16xi32>
      %gather3A_159 = tpu.vector_load_idx %arg6[%shift_right_arithmetic3A_158] : memref<3168xi32, #tpu.memory_space<vmem>>[vector<16xi32>], vector<16xi32>,
      %lt3A_160 = arith.cmpi slt, %gather3A_159, %min3A_59 : vector<16xi32>
      %add3A_161 = arith.constant 1 : i32
      %add3A_162 = vector.broadcast %add3A_161 : i32 to vector<16xi32>
      %add3A_163 = arith.addi %shift_right_arithmetic3A_158, %add3A_162 : vector<16xi32>
      %select_n3A_164 = arith.select %lt3A_160, %add3A_163, %select_n3A_153 : vector<16xi1>, vector<16xi32>
      %select_n3A_165 = arith.select %lt3A_160, %select_n3A_154, %shift_right_arithmetic3A_158 : vector<16xi1>, vector<16xi32>
      %add3A_166 = arith.addi %select_n3A_164, %select_n3A_165 : vector<16xi32>
      %shift_right_arithmetic3A_167 = arith.constant 1 : i32
      %shift_right_arithmetic3A_168 = vector.broadcast %shift_right_arithmetic3A_167 : i32 to vector<16xi32>
      %shift_right_arithmetic3A_169 = arith.shrsi %add3A_166, %shift_right_arithmetic3A_168 : vector<16xi32>
      %gather3A_170 = tpu.vector_load_idx %arg6[%shift_right_arithmetic3A_169] : memref<3168xi32, #tpu.memory_space<vmem>>[vector<16xi32>], vector<16xi32>,
      %lt3A_171 = arith.cmpi slt, %gather3A_170, %min3A_59 : vector<16xi32>
      %add3A_172 = arith.constant 1 : i32
      %add3A_173 = vector.broadcast %add3A_172 : i32 to vector<16xi32>
      %add3A_174 = arith.addi %shift_right_arithmetic3A_169, %add3A_173 : vector<16xi32>
      %select_n3A_175 = arith.select %lt3A_171, %add3A_174, %select_n3A_164 : vector<16xi1>, vector<16xi32>
      %select_n3A_176 = arith.select %lt3A_171, %select_n3A_165, %shift_right_arithmetic3A_169 : vector<16xi1>, vector<16xi32>
      %add3A_177 = arith.addi %select_n3A_175, %select_n3A_176 : vector<16xi32>
      %shift_right_arithmetic3A_178 = arith.constant 1 : i32
      %shift_right_arithmetic3A_179 = vector.broadcast %shift_right_arithmetic3A_178 : i32 to vector<16xi32>
      %shift_right_arithmetic3A_180 = arith.shrsi %add3A_177, %shift_right_arithmetic3A_179 : vector<16xi32>
      %gather3A_181 = tpu.vector_load_idx %arg6[%shift_right_arithmetic3A_180] : memref<3168xi32, #tpu.memory_space<vmem>>[vector<16xi32>], vector<16xi32>,
      %lt3A_182 = arith.cmpi slt, %gather3A_181, %min3A_59 : vector<16xi32>
      %add3A_183 = arith.constant 1 : i32
      %add3A_184 = vector.broadcast %add3A_183 : i32 to vector<16xi32>
      %add3A_185 = arith.addi %shift_right_arithmetic3A_180, %add3A_184 : vector<16xi32>
      %select_n3A_186 = arith.select %lt3A_182, %add3A_185, %select_n3A_175 : vector<16xi1>, vector<16xi32>
      %select_n3A_187 = arith.select %lt3A_182, %select_n3A_176, %shift_right_arithmetic3A_180 : vector<16xi1>, vector<16xi32>
      %add3A_188 = arith.addi %select_n3A_186, %select_n3A_187 : vector<16xi32>
      %shift_right_arithmetic3A_189 = arith.constant 1 : i32
      %shift_right_arithmetic3A_190 = vector.broadcast %shift_right_arithmetic3A_189 : i32 to vector<16xi32>
      %shift_right_arithmetic3A_191 = arith.shrsi %add3A_188, %shift_right_arithmetic3A_190 : vector<16xi32>
      %gather3A_192 = tpu.vector_load_idx %arg6[%shift_right_arithmetic3A_191] : memref<3168xi32, #tpu.memory_space<vmem>>[vector<16xi32>], vector<16xi32>,
      %lt3A_193 = arith.cmpi slt, %gather3A_192, %min3A_59 : vector<16xi32>
      %add3A_194 = arith.constant 1 : i32
      %add3A_195 = vector.broadcast %add3A_194 : i32 to vector<16xi32>
      %add3A_196 = arith.addi %shift_right_arithmetic3A_191, %add3A_195 : vector<16xi32>
      %select_n3A_197 = arith.select %lt3A_193, %add3A_196, %select_n3A_186 : vector<16xi1>, vector<16xi32>
      %select_n3A_198 = arith.select %lt3A_193, %select_n3A_187, %shift_right_arithmetic3A_191 : vector<16xi1>, vector<16xi32>
      %add3A_199 = vector.broadcast %mul3A_2 : i32 to vector<16xi32>
      %add3A_200 = arith.addi %add3A_199, %select_n3A_197 : vector<16xi32>
      %sub3A_201 = arith.constant 8 : i32
      %sub3A_202 = vector.broadcast %sub3A_201 : i32 to vector<16xi32>
      %sub3A_203 = arith.subi %add3A_200, %sub3A_202 : vector<16xi32>
      %gather3A_204 = tpu.vector_load_idx %arg7[%min3A_59] : memref<4096xi32, #tpu.memory_space<vmem>>[vector<16xi32>], vector<16xi32>,
      %add3A_205 = arith.addi %sub3A_203, %gather3A_204 : vector<16xi32>
      %swap3A = arith.constant 0 : i32
      %swap3A_206 = arith.index_cast %swap3A : i32 to index
      %swap3A_207 = arith.constant 0 : index
      %swap3A_208 = tpu.vector_load %arg8[%swap3A_206, %swap3A_207] {strides = array<i32>} : memref<1x16xi32, #tpu.memory_space<vmem>>, vector<16xi32>,
      tpu.vector_store %arg8[%swap3A_206, %swap3A_207], %add3A_205 {strides = array<i32>} : memref<1x16xi32, #tpu.memory_space<vmem>>, vector<16xi32>,
      %swap3A_209 = arith.constant 0 : i32
      %swap3A_210 = arith.index_cast %swap3A_209 : i32 to index
      %swap3A_211 = arith.constant 0 : index
      %swap3A_212 = tpu.vector_load %arg9[%swap3A_210, %swap3A_211] {strides = array<i32>} : memref<1x16xi32, #tpu.memory_space<vmem>>, vector<16xi32>,
      tpu.vector_store %arg9[%swap3A_210, %swap3A_211], %min3A_59 {strides = array<i32>} : memref<1x16xi32, #tpu.memory_space<vmem>>, vector<16xi32>,
      %dma_start3A = arith.constant 0 : i32
      %dma_start3A_213 = arith.constant 0 : i32
      %dma_start3A_214 = tpu.memref_slice %arg8[%dma_start3A, %dma_start3A_213] : memref<1x16xi32, #tpu.memory_space<vmem>> -> memref<1x16xi32, #tpu.memory_space<vmem>>
      %dma_start3A_215 = tpu.memref_squeeze %dma_start3A_214 : memref<1x16xi32, #tpu.memory_space<vmem>> -> memref<16xi32, #tpu.memory_space<vmem>>
      %dma_start3A_216 = arith.constant 0 : i32
      %dma_start3A_217 = arith.constant 0 : i32
      %dma_start3A_218 = tpu.memref_slice %arg4[%dma_start3A_216, %dma_start3A_217] : memref<100000x128xf32, #tpu.memory_space<hbm>> -> memref<100000x128xf32, #tpu.memory_space<hbm>>
      tpu.enqueue_indirect_dma source(%dma_start3A_218 : memref<100000x128xf32, #tpu.memory_space<hbm>>) target(%arg12 : memref<16x128xf32, #tpu.memory_space<vmem>>) offsets(%dma_start3A_215 : memref<16xi32, #tpu.memory_space<vmem>>) semaphore(%arg15 : memref<!tpu.dma_semaphore, #tpu.memory_space<semaphore_mem>>)
      %while3A = arith.constant 0 : i32
      %while3A_219 = arith.constant 0 : i32
      %while3A_220 = arith.subi %select_n3A_50, %while3A_219 : i32
      %while3A_221 = arith.addi %while3A_219, %while3A_220 : i32
      %while3A_222 = arith.constant 1 : i32
      %while3A_223 = arith.divsi %while3A_220, %while3A_222 : i32
      %while3A_224 = arith.muli %while3A_223, %while3A_222 : i32
      %while3A_225 = arith.addi %while3A_219, %while3A_224 : i32
      %while3A_226 = arith.constant 1 : i32
      scf.for %while3A_228 = %while3A_219 to %while3A_225 step %while3A_226  : i32 {
        %jit3A_229 = arith.constant 2 : i32
        %eq3A_230 = arith.constant 0 : i32
        %eq3A_231 = arith.cmpi eq, %jit3A_229, %eq3A_230 : i32
        %jit3A_232 = arith.constant 1 : i32
        %select_n3A_233 = arith.select %eq3A_231, %jit3A_232, %jit3A_229 : i32
        %rem3A_234 = arith.remsi %while3A_228, %select_n3A_233 : i32
        %ne3A_235 = arith.constant 0 : i32
        %ne3A_236 = arith.cmpi ne, %rem3A_234, %ne3A_235 : i32
        %lt3A_237 = arith.constant 0 : i32
        %lt3A_238 = arith.cmpi slt, %rem3A_234, %lt3A_237 : i32
        %lt3A_239 = arith.constant 0 : i32
        %lt3A_240 = arith.cmpi slt, %select_n3A_233, %lt3A_239 : i32
        %ne3A_241 = arith.xori %lt3A_238, %lt3A_240 : i1
        %and3A_242 = arith.andi %ne3A_241, %ne3A_236 : i1
        %add3A_243 = arith.addi %rem3A_234, %select_n3A_233 : i32
        %select_n3A_244 = arith.select %and3A_242, %add3A_243, %rem3A_234 : i32
        %eq3A_245 = arith.constant 0 : i32
        %eq3A_246 = arith.cmpi eq, %select_n3A_244, %eq3A_245 : i32
        %convert_element_type3A_247 = arith.extui %eq3A_246 : i1 to i32
        %cond3A_248 = arith.constant 0 : i32
        %cond3A_249 = arith.cmpi ne, %convert_element_type3A_247, %cond3A_248 : i32
        scf.if %cond3A_249 {
          %dma_wait3A = arith.constant 0 : i32
          %dma_wait3A_271 = arith.constant 0 : i32
          %dma_wait3A_272 = tpu.memref_slice %arg8[%dma_wait3A, %dma_wait3A_271] : memref<1x16xi32, #tpu.memory_space<vmem>> -> memref<1x16xi32, #tpu.memory_space<vmem>>
          %dma_wait3A_273 = tpu.memref_squeeze %dma_wait3A_272 : memref<1x16xi32, #tpu.memory_space<vmem>> -> memref<16xi32, #tpu.memory_space<vmem>>
          %dma_wait3A_274 = arith.constant 0 : i32
          %dma_wait3A_275 = arith.constant 0 : i32
          %dma_wait3A_276 = tpu.memref_slice %arg4[%dma_wait3A_274, %dma_wait3A_275] : memref<100000x128xf32, #tpu.memory_space<hbm>> -> memref<100000x128xf32, #tpu.memory_space<hbm>>
          tpu.wait_indirect_dma semaphore(%arg15 : memref<!tpu.dma_semaphore, #tpu.memory_space<semaphore_mem>>) src(%dma_wait3A_276 : memref<100000x128xf32, #tpu.memory_space<hbm>>) dst(%arg12 : memref<16x128xf32, #tpu.memory_space<vmem>>)
          %add3A_277 = arith.constant 1 : i32
          %add3A_278 = arith.addi %while3A_228, %add3A_277 : i32
          %lt3A_279 = arith.cmpi slt, %add3A_278, %select_n3A_50 : i32
          %convert_element_type3A_280 = arith.extui %lt3A_279 : i1 to i32
          %cond3A_281 = arith.constant 0 : i32
          %cond3A_282 = arith.cmpi ne, %convert_element_type3A_280, %cond3A_281 : i32
          scf.if %cond3A_282 {
            %add3A_297 = arith.constant 1 : i32
            %add3A_298 = arith.addi %while3A_228, %add3A_297 : i32
            %add3A_299 = arith.constant 1 : i32
            %add3A_300 = arith.addi %select_n3A, %add3A_299 : i32
            %mul3A_301 = arith.constant 16 : i32
            %mul3A_302 = arith.muli %add3A_298, %mul3A_301 : i32
            %add3A_303 = arith.addi %add3A_300, %mul3A_302 : i32
            %add3A_304 = arith.constant 0 : i32
            %add3A_305 = arith.addi %add3A_303, %add3A_304 : i32
            %iota3A_306 = tpu.iota {dimensions = array<i32: 0>} : vector<16xi32>
            %add3A_307 = vector.broadcast %add3A_305 : i32 to vector<16xi32>
            %add3A_308 = arith.addi %add3A_307, %iota3A_306 : vector<16xi32>
            %min3A_309 = vector.broadcast %squeeze3A_21 : i32 to vector<16xi32>
            %min3A_310 = arith.minsi %add3A_308, %min3A_309 : vector<16xi32>
            %broadcast_in_dim3A_311 = arith.constant 0 : i32
            %broadcast_in_dim3A_312 = vector.broadcast %broadcast_in_dim3A_311 : i32 to vector<16xi32>
            %add3A_313 = arith.constant 8 : i32
            %add3A_314 = vector.broadcast %add3A_313 : i32 to vector<16xi32>
            %add3A_315 = arith.addi %broadcast_in_dim3A_312, %add3A_314 : vector<16xi32>
            %broadcast_in_dim3A_316 = arith.constant 0 : i32
            %broadcast_in_dim3A_317 = vector.broadcast %broadcast_in_dim3A_316 : i32 to vector<16xi32>
            %add3A_318 = arith.constant 3143 : i32
            %add3A_319 = vector.broadcast %add3A_318 : i32 to vector<16xi32>
            %add3A_320 = arith.addi %broadcast_in_dim3A_317, %add3A_319 : vector<16xi32>
            %add3A_321 = arith.addi %add3A_315, %add3A_320 : vector<16xi32>
            %shift_right_arithmetic3A_322 = arith.constant 1 : i32
            %shift_right_arithmetic3A_323 = vector.broadcast %shift_right_arithmetic3A_322 : i32 to vector<16xi32>
            %shift_right_arithmetic3A_324 = arith.shrsi %add3A_321, %shift_right_arithmetic3A_323 : vector<16xi32>
            %gather3A_325 = tpu.vector_load_idx %arg6[%shift_right_arithmetic3A_324] : memref<3168xi32, #tpu.memory_space<vmem>>[vector<16xi32>], vector<16xi32>,
            %lt3A_326 = arith.cmpi slt, %gather3A_325, %min3A_310 : vector<16xi32>
            %add3A_327 = arith.constant 1 : i32
            %add3A_328 = vector.broadcast %add3A_327 : i32 to vector<16xi32>
            %add3A_329 = arith.addi %shift_right_arithmetic3A_324, %add3A_328 : vector<16xi32>
            %select_n3A_330 = arith.select %lt3A_326, %add3A_329, %add3A_315 : vector<16xi1>, vector<16xi32>
            %select_n3A_331 = arith.select %lt3A_326, %add3A_320, %shift_right_arithmetic3A_324 : vector<16xi1>, vector<16xi32>
            %add3A_332 = arith.addi %select_n3A_330, %select_n3A_331 : vector<16xi32>
            %shift_right_arithmetic3A_333 = arith.constant 1 : i32
            %shift_right_arithmetic3A_334 = vector.broadcast %shift_right_arithmetic3A_333 : i32 to vector<16xi32>
            %shift_right_arithmetic3A_335 = arith.shrsi %add3A_332, %shift_right_arithmetic3A_334 : vector<16xi32>
            %gather3A_336 = tpu.vector_load_idx %arg6[%shift_right_arithmetic3A_335] : memref<3168xi32, #tpu.memory_space<vmem>>[vector<16xi32>], vector<16xi32>,
            %lt3A_337 = arith.cmpi slt, %gather3A_336, %min3A_310 : vector<16xi32>
            %add3A_338 = arith.constant 1 : i32
            %add3A_339 = vector.broadcast %add3A_338 : i32 to vector<16xi32>
            %add3A_340 = arith.addi %shift_right_arithmetic3A_335, %add3A_339 : vector<16xi32>
            %select_n3A_341 = arith.select %lt3A_337, %add3A_340, %select_n3A_330 : vector<16xi1>, vector<16xi32>
            %select_n3A_342 = arith.select %lt3A_337, %select_n3A_331, %shift_right_arithmetic3A_335 : vector<16xi1>, vector<16xi32>
            %add3A_343 = arith.addi %select_n3A_341, %select_n3A_342 : vector<16xi32>
            %shift_right_arithmetic3A_344 = arith.constant 1 : i32
            %shift_right_arithmetic3A_345 = vector.broadcast %shift_right_arithmetic3A_344 : i32 to vector<16xi32>
            %shift_right_arithmetic3A_346 = arith.shrsi %add3A_343, %shift_right_arithmetic3A_345 : vector<16xi32>
            %gather3A_347 = tpu.vector_load_idx %arg6[%shift_right_arithmetic3A_346] : memref<3168xi32, #tpu.memory_space<vmem>>[vector<16xi32>], vector<16xi32>,
            %lt3A_348 = arith.cmpi slt, %gather3A_347, %min3A_310 : vector<16xi32>
            %add3A_349 = arith.constant 1 : i32
            %add3A_350 = vector.broadcast %add3A_349 : i32 to vector<16xi32>
            %add3A_351 = arith.addi %shift_right_arithmetic3A_346, %add3A_350 : vector<16xi32>
            %select_n3A_352 = arith.select %lt3A_348, %add3A_351, %select_n3A_341 : vector<16xi1>, vector<16xi32>
            %select_n3A_353 = arith.select %lt3A_348, %select_n3A_342, %shift_right_arithmetic3A_346 : vector<16xi1>, vector<16xi32>
            %add3A_354 = arith.addi %select_n3A_352, %select_n3A_353 : vector<16xi32>
            %shift_right_arithmetic3A_355 = arith.constant 1 : i32
            %shift_right_arithmetic3A_356 = vector.broadcast %shift_right_arithmetic3A_355 : i32 to vector<16xi32>
            %shift_right_arithmetic3A_357 = arith.shrsi %add3A_354, %shift_right_arithmetic3A_356 : vector<16xi32>
            %gather3A_358 = tpu.vector_load_idx %arg6[%shift_right_arithmetic3A_357] : memref<3168xi32, #tpu.memory_space<vmem>>[vector<16xi32>], vector<16xi32>,
            %lt3A_359 = arith.cmpi slt, %gather3A_358, %min3A_310 : vector<16xi32>
            %add3A_360 = arith.constant 1 : i32
            %add3A_361 = vector.broadcast %add3A_360 : i32 to vector<16xi32>
            %add3A_362 = arith.addi %shift_right_arithmetic3A_357, %add3A_361 : vector<16xi32>
            %select_n3A_363 = arith.select %lt3A_359, %add3A_362, %select_n3A_352 : vector<16xi1>, vector<16xi32>
            %select_n3A_364 = arith.select %lt3A_359, %select_n3A_353, %shift_right_arithmetic3A_357 : vector<16xi1>, vector<16xi32>
            %add3A_365 = arith.addi %select_n3A_363, %select_n3A_364 : vector<16xi32>
            %shift_right_arithmetic3A_366 = arith.constant 1 : i32
            %shift_right_arithmetic3A_367 = vector.broadcast %shift_right_arithmetic3A_366 : i32 to vector<16xi32>
            %shift_right_arithmetic3A_368 = arith.shrsi %add3A_365, %shift_right_arithmetic3A_367 : vector<16xi32>
            %gather3A_369 = tpu.vector_load_idx %arg6[%shift_right_arithmetic3A_368] : memref<3168xi32, #tpu.memory_space<vmem>>[vector<16xi32>], vector<16xi32>,
            %lt3A_370 = arith.cmpi slt, %gather3A_369, %min3A_310 : vector<16xi32>
            %add3A_371 = arith.constant 1 : i32
            %add3A_372 = vector.broadcast %add3A_371 : i32 to vector<16xi32>
            %add3A_373 = arith.addi %shift_right_arithmetic3A_368, %add3A_372 : vector<16xi32>
            %select_n3A_374 = arith.select %lt3A_370, %add3A_373, %select_n3A_363 : vector<16xi1>, vector<16xi32>
            %select_n3A_375 = arith.select %lt3A_370, %select_n3A_364, %shift_right_arithmetic3A_368 : vector<16xi1>, vector<16xi32>
            %add3A_376 = arith.addi %select_n3A_374, %select_n3A_375 : vector<16xi32>
            %shift_right_arithmetic3A_377 = arith.constant 1 : i32
            %shift_right_arithmetic3A_378 = vector.broadcast %shift_right_arithmetic3A_377 : i32 to vector<16xi32>
            %shift_right_arithmetic3A_379 = arith.shrsi %add3A_376, %shift_right_arithmetic3A_378 : vector<16xi32>
            %gather3A_380 = tpu.vector_load_idx %arg6[%shift_right_arithmetic3A_379] : memref<3168xi32, #tpu.memory_space<vmem>>[vector<16xi32>], vector<16xi32>,
            %lt3A_381 = arith.cmpi slt, %gather3A_380, %min3A_310 : vector<16xi32>
            %add3A_382 = arith.constant 1 : i32
            %add3A_383 = vector.broadcast %add3A_382 : i32 to vector<16xi32>
            %add3A_384 = arith.addi %shift_right_arithmetic3A_379, %add3A_383 : vector<16xi32>
            %select_n3A_385 = arith.select %lt3A_381, %add3A_384, %select_n3A_374 : vector<16xi1>, vector<16xi32>
            %select_n3A_386 = arith.select %lt3A_381, %select_n3A_375, %shift_right_arithmetic3A_379 : vector<16xi1>, vector<16xi32>
            %add3A_387 = arith.addi %select_n3A_385, %select_n3A_386 : vector<16xi32>
            %shift_right_arithmetic3A_388 = arith.constant 1 : i32
            %shift_right_arithmetic3A_389 = vector.broadcast %shift_right_arithmetic3A_388 : i32 to vector<16xi32>
            %shift_right_arithmetic3A_390 = arith.shrsi %add3A_387, %shift_right_arithmetic3A_389 : vector<16xi32>
            %gather3A_391 = tpu.vector_load_idx %arg6[%shift_right_arithmetic3A_390] : memref<3168xi32, #tpu.memory_space<vmem>>[vector<16xi32>], vector<16xi32>,
            %lt3A_392 = arith.cmpi slt, %gather3A_391, %min3A_310 : vector<16xi32>
            %add3A_393 = arith.constant 1 : i32
            %add3A_394 = vector.broadcast %add3A_393 : i32 to vector<16xi32>
            %add3A_395 = arith.addi %shift_right_arithmetic3A_390, %add3A_394 : vector<16xi32>
            %select_n3A_396 = arith.select %lt3A_392, %add3A_395, %select_n3A_385 : vector<16xi1>, vector<16xi32>
            %select_n3A_397 = arith.select %lt3A_392, %select_n3A_386, %shift_right_arithmetic3A_390 : vector<16xi1>, vector<16xi32>
            %add3A_398 = arith.addi %select_n3A_396, %select_n3A_397 : vector<16xi32>
            %shift_right_arithmetic3A_399 = arith.constant 1 : i32
            %shift_right_arithmetic3A_400 = vector.broadcast %shift_right_arithmetic3A_399 : i32 to vector<16xi32>
            %shift_right_arithmetic3A_401 = arith.shrsi %add3A_398, %shift_right_arithmetic3A_400 : vector<16xi32>
            %gather3A_402 = tpu.vector_load_idx %arg6[%shift_right_arithmetic3A_401] : memref<3168xi32, #tpu.memory_space<vmem>>[vector<16xi32>], vector<16xi32>,
            %lt3A_403 = arith.cmpi slt, %gather3A_402, %min3A_310 : vector<16xi32>
            %add3A_404 = arith.constant 1 : i32
            %add3A_405 = vector.broadcast %add3A_404 : i32 to vector<16xi32>
            %add3A_406 = arith.addi %shift_right_arithmetic3A_401, %add3A_405 : vector<16xi32>
            %select_n3A_407 = arith.select %lt3A_403, %add3A_406, %select_n3A_396 : vector<16xi1>, vector<16xi32>
            %select_n3A_408 = arith.select %lt3A_403, %select_n3A_397, %shift_right_arithmetic3A_401 : vector<16xi1>, vector<16xi32>
            %add3A_409 = arith.addi %select_n3A_407, %select_n3A_408 : vector<16xi32>
            %shift_right_arithmetic3A_410 = arith.constant 1 : i32
            %shift_right_arithmetic3A_411 = vector.broadcast %shift_right_arithmetic3A_410 : i32 to vector<16xi32>
            %shift_right_arithmetic3A_412 = arith.shrsi %add3A_409, %shift_right_arithmetic3A_411 : vector<16xi32>
            %gather3A_413 = tpu.vector_load_idx %arg6[%shift_right_arithmetic3A_412] : memref<3168xi32, #tpu.memory_space<vmem>>[vector<16xi32>], vector<16xi32>,
            %lt3A_414 = arith.cmpi slt, %gather3A_413, %min3A_310 : vector<16xi32>
            %add3A_415 = arith.constant 1 : i32
            %add3A_416 = vector.broadcast %add3A_415 : i32 to vector<16xi32>
            %add3A_417 = arith.addi %shift_right_arithmetic3A_412, %add3A_416 : vector<16xi32>
            %select_n3A_418 = arith.select %lt3A_414, %add3A_417, %select_n3A_407 : vector<16xi1>, vector<16xi32>
            %select_n3A_419 = arith.select %lt3A_414, %select_n3A_408, %shift_right_arithmetic3A_412 : vector<16xi1>, vector<16xi32>
            %add3A_420 = arith.addi %select_n3A_418, %select_n3A_419 : vector<16xi32>
            %shift_right_arithmetic3A_421 = arith.constant 1 : i32
            %shift_right_arithmetic3A_422 = vector.broadcast %shift_right_arithmetic3A_421 : i32 to vector<16xi32>
            %shift_right_arithmetic3A_423 = arith.shrsi %add3A_420, %shift_right_arithmetic3A_422 : vector<16xi32>
            %gather3A_424 = tpu.vector_load_idx %arg6[%shift_right_arithmetic3A_423] : memref<3168xi32, #tpu.memory_space<vmem>>[vector<16xi32>], vector<16xi32>,
            %lt3A_425 = arith.cmpi slt, %gather3A_424, %min3A_310 : vector<16xi32>
            %add3A_426 = arith.constant 1 : i32
            %add3A_427 = vector.broadcast %add3A_426 : i32 to vector<16xi32>
            %add3A_428 = arith.addi %shift_right_arithmetic3A_423, %add3A_427 : vector<16xi32>
            %select_n3A_429 = arith.select %lt3A_425, %add3A_428, %select_n3A_418 : vector<16xi1>, vector<16xi32>
            %select_n3A_430 = arith.select %lt3A_425, %select_n3A_419, %shift_right_arithmetic3A_423 : vector<16xi1>, vector<16xi32>
            %add3A_431 = arith.addi %select_n3A_429, %select_n3A_430 : vector<16xi32>
            %shift_right_arithmetic3A_432 = arith.constant 1 : i32
            %shift_right_arithmetic3A_433 = vector.broadcast %shift_right_arithmetic3A_432 : i32 to vector<16xi32>
            %shift_right_arithmetic3A_434 = arith.shrsi %add3A_431, %shift_right_arithmetic3A_433 : vector<16xi32>
            %gather3A_435 = tpu.vector_load_idx %arg6[%shift_right_arithmetic3A_434] : memref<3168xi32, #tpu.memory_space<vmem>>[vector<16xi32>], vector<16xi32>,
            %lt3A_436 = arith.cmpi slt, %gather3A_435, %min3A_310 : vector<16xi32>
            %add3A_437 = arith.constant 1 : i32
            %add3A_438 = vector.broadcast %add3A_437 : i32 to vector<16xi32>
            %add3A_439 = arith.addi %shift_right_arithmetic3A_434, %add3A_438 : vector<16xi32>
            %select_n3A_440 = arith.select %lt3A_436, %add3A_439, %select_n3A_429 : vector<16xi1>, vector<16xi32>
            %select_n3A_441 = arith.select %lt3A_436, %select_n3A_430, %shift_right_arithmetic3A_434 : vector<16xi1>, vector<16xi32>
            %add3A_442 = arith.addi %select_n3A_440, %select_n3A_441 : vector<16xi32>
            %shift_right_arithmetic3A_443 = arith.constant 1 : i32
            %shift_right_arithmetic3A_444 = vector.broadcast %shift_right_arithmetic3A_443 : i32 to vector<16xi32>
            %shift_right_arithmetic3A_445 = arith.shrsi %add3A_442, %shift_right_arithmetic3A_444 : vector<16xi32>
            %gather3A_446 = tpu.vector_load_idx %arg6[%shift_right_arithmetic3A_445] : memref<3168xi32, #tpu.memory_space<vmem>>[vector<16xi32>], vector<16xi32>,
            %lt3A_447 = arith.cmpi slt, %gather3A_446, %min3A_310 : vector<16xi32>
            %add3A_448 = arith.constant 1 : i32
            %add3A_449 = vector.broadcast %add3A_448 : i32 to vector<16xi32>
            %add3A_450 = arith.addi %shift_right_arithmetic3A_445, %add3A_449 : vector<16xi32>
            %select_n3A_451 = arith.select %lt3A_447, %add3A_450, %select_n3A_440 : vector<16xi1>, vector<16xi32>
            %select_n3A_452 = arith.select %lt3A_447, %select_n3A_441, %shift_right_arithmetic3A_445 : vector<16xi1>, vector<16xi32>
            %add3A_453 = vector.broadcast %mul3A_2 : i32 to vector<16xi32>
            %add3A_454 = arith.addi %add3A_453, %select_n3A_451 : vector<16xi32>
            %sub3A_455 = arith.constant 8 : i32
            %sub3A_456 = vector.broadcast %sub3A_455 : i32 to vector<16xi32>
            %sub3A_457 = arith.subi %add3A_454, %sub3A_456 : vector<16xi32>
            %gather3A_458 = tpu.vector_load_idx %arg7[%min3A_310] : memref<4096xi32, #tpu.memory_space<vmem>>[vector<16xi32>], vector<16xi32>,
            %add3A_459 = arith.addi %sub3A_457, %gather3A_458 : vector<16xi32>
            %swap3A_460 = arith.constant 0 : i32
            %swap3A_461 = arith.index_cast %swap3A_460 : i32 to index
            %swap3A_462 = arith.constant 0 : index
            %swap3A_463 = tpu.vector_load %arg10[%swap3A_461, %swap3A_462] {strides = array<i32>} : memref<1x16xi32, #tpu.memory_space<vmem>>, vector<16xi32>,
            tpu.vector_store %arg10[%swap3A_461, %swap3A_462], %add3A_459 {strides = array<i32>} : memref<1x16xi32, #tpu.memory_space<vmem>>, vector<16xi32>,
            %swap3A_464 = arith.constant 0 : i32
            %swap3A_465 = arith.index_cast %swap3A_464 : i32 to index
            %swap3A_466 = arith.constant 0 : index
            %swap3A_467 = tpu.vector_load %arg11[%swap3A_465, %swap3A_466] {strides = array<i32>} : memref<1x16xi32, #tpu.memory_space<vmem>>, vector<16xi32>,
            tpu.vector_store %arg11[%swap3A_465, %swap3A_466], %min3A_310 {strides = array<i32>} : memref<1x16xi32, #tpu.memory_space<vmem>>, vector<16xi32>,
            %dma_start3A_468 = arith.constant 0 : i32
            %dma_start3A_469 = arith.constant 0 : i32
            %dma_start3A_470 = tpu.memref_slice %arg10[%dma_start3A_468, %dma_start3A_469] : memref<1x16xi32, #tpu.memory_space<vmem>> -> memref<1x16xi32, #tpu.memory_space<vmem>>
            %dma_start3A_471 = tpu.memref_squeeze %dma_start3A_470 : memref<1x16xi32, #tpu.memory_space<vmem>> -> memref<16xi32, #tpu.memory_space<vmem>>
            %dma_start3A_472 = arith.constant 0 : i32
            %dma_start3A_473 = arith.constant 0 : i32
            %dma_start3A_474 = tpu.memref_slice %arg4[%dma_start3A_472, %dma_start3A_473] : memref<100000x128xf32, #tpu.memory_space<hbm>> -> memref<100000x128xf32, #tpu.memory_space<hbm>>
            tpu.enqueue_indirect_dma source(%dma_start3A_474 : memref<100000x128xf32, #tpu.memory_space<hbm>>) target(%arg13 : memref<16x128xf32, #tpu.memory_space<vmem>>) offsets(%dma_start3A_471 : memref<16xi32, #tpu.memory_space<vmem>>) semaphore(%arg15 : memref<!tpu.dma_semaphore, #tpu.memory_space<semaphore_mem>>)
          } else {
          }
          %dma_start3A_283 = arith.constant 0 : i32
          %dma_start3A_284 = arith.constant 0 : i32
          %dma_start3A_285 = tpu.memref_slice %arg9[%dma_start3A_283, %dma_start3A_284] : memref<1x16xi32, #tpu.memory_space<vmem>> -> memref<1x16xi32, #tpu.memory_space<vmem>>
          %dma_start3A_286 = tpu.memref_squeeze %dma_start3A_285 : memref<1x16xi32, #tpu.memory_space<vmem>> -> memref<16xi32, #tpu.memory_space<vmem>>
          %dma_start3A_287 = arith.constant 0 : i32
          %dma_start3A_288 = arith.constant 0 : i32
          %dma_start3A_289 = tpu.memref_slice %arg5[%dma_start3A_287, %dma_start3A_288] : memref<4096x128xf32, #tpu.memory_space<hbm>> -> memref<4096x128xf32, #tpu.memory_space<hbm>>
          tpu.enqueue_indirect_dma source(%arg12 : memref<16x128xf32, #tpu.memory_space<vmem>>) target(%dma_start3A_289 : memref<4096x128xf32, #tpu.memory_space<hbm>>) offsets(%dma_start3A_286 : memref<16xi32, #tpu.memory_space<vmem>>) semaphore(%arg16 : memref<!tpu.dma_semaphore, #tpu.memory_space<semaphore_mem>>)
          %dma_wait3A_290 = arith.constant 0 : i32
          %dma_wait3A_291 = arith.constant 0 : i32
          %dma_wait3A_292 = tpu.memref_slice %arg9[%dma_wait3A_290, %dma_wait3A_291] : memref<1x16xi32, #tpu.memory_space<vmem>> -> memref<1x16xi32, #tpu.memory_space<vmem>>
          %dma_wait3A_293 = tpu.memref_squeeze %dma_wait3A_292 : memref<1x16xi32, #tpu.memory_space<vmem>> -> memref<16xi32, #tpu.memory_space<vmem>>
          %dma_wait3A_294 = arith.constant 0 : i32
          %dma_wait3A_295 = arith.constant 0 : i32
          %dma_wait3A_296 = tpu.memref_slice %arg5[%dma_wait3A_294, %dma_wait3A_295] : memref<4096x128xf32, #tpu.memory_space<hbm>> -> memref<4096x128xf32, #tpu.memory_space<hbm>>
          tpu.wait_indirect_dma semaphore(%arg16 : memref<!tpu.dma_semaphore, #tpu.memory_space<semaphore_mem>>) src(%arg12 : memref<16x128xf32, #tpu.memory_space<vmem>>) dst(%dma_wait3A_296 : memref<4096x128xf32, #tpu.memory_space<hbm>>)
        } else {
        }
        %jit3A_250 = arith.constant 2 : i32
        %eq3A_251 = arith.constant 0 : i32
        %eq3A_252 = arith.cmpi eq, %jit3A_250, %eq3A_251 : i32
        %jit3A_253 = arith.constant 1 : i32
        %select_n3A_254 = arith.select %eq3A_252, %jit3A_253, %jit3A_250 : i32
        %rem3A_255 = arith.remsi %while3A_228, %select_n3A_254 : i32
        %ne3A_256 = arith.constant 0 : i32
        %ne3A_257 = arith.cmpi ne, %rem3A_255, %ne3A_256 : i32
        %lt3A_258 = arith.constant 0 : i32
        %lt3A_259 = arith.cmpi slt, %rem3A_255, %lt3A_258 : i32
        %lt3A_260 = arith.constant 0 : i32
        %lt3A_261 = arith.cmpi slt, %select_n3A_254, %lt3A_260 : i32
        %ne3A_262 = arith.xori %lt3A_259, %lt3A_261 : i1
        %and3A_263 = arith.andi %ne3A_262, %ne3A_257 : i1
        %add3A_264 = arith.addi %rem3A_255, %select_n3A_254 : i32
        %select_n3A_265 = arith.select %and3A_263, %add3A_264, %rem3A_255 : i32
        %eq3A_266 = arith.constant 1 : i32
        %eq3A_267 = arith.cmpi eq, %select_n3A_265, %eq3A_266 : i32
        %convert_element_type3A_268 = arith.extui %eq3A_267 : i1 to i32
        %cond3A_269 = arith.constant 0 : i32
        %cond3A_270 = arith.cmpi ne, %convert_element_type3A_268, %cond3A_269 : i32
        scf.if %cond3A_270 {
          %dma_wait3A = arith.constant 0 : i32
          %dma_wait3A_271 = arith.constant 0 : i32
          %dma_wait3A_272 = tpu.memref_slice %arg10[%dma_wait3A, %dma_wait3A_271] : memref<1x16xi32, #tpu.memory_space<vmem>> -> memref<1x16xi32, #tpu.memory_space<vmem>>
          %dma_wait3A_273 = tpu.memref_squeeze %dma_wait3A_272 : memref<1x16xi32, #tpu.memory_space<vmem>> -> memref<16xi32, #tpu.memory_space<vmem>>
          %dma_wait3A_274 = arith.constant 0 : i32
          %dma_wait3A_275 = arith.constant 0 : i32
          %dma_wait3A_276 = tpu.memref_slice %arg4[%dma_wait3A_274, %dma_wait3A_275] : memref<100000x128xf32, #tpu.memory_space<hbm>> -> memref<100000x128xf32, #tpu.memory_space<hbm>>
          tpu.wait_indirect_dma semaphore(%arg15 : memref<!tpu.dma_semaphore, #tpu.memory_space<semaphore_mem>>) src(%dma_wait3A_276 : memref<100000x128xf32, #tpu.memory_space<hbm>>) dst(%arg13 : memref<16x128xf32, #tpu.memory_space<vmem>>)
          %add3A_277 = arith.constant 1 : i32
          %add3A_278 = arith.addi %while3A_228, %add3A_277 : i32
          %lt3A_279 = arith.cmpi slt, %add3A_278, %select_n3A_50 : i32
          %convert_element_type3A_280 = arith.extui %lt3A_279 : i1 to i32
          %cond3A_281 = arith.constant 0 : i32
          %cond3A_282 = arith.cmpi ne, %convert_element_type3A_280, %cond3A_281 : i32
          scf.if %cond3A_282 {
            %add3A_297 = arith.constant 1 : i32
            %add3A_298 = arith.addi %while3A_228, %add3A_297 : i32
            %add3A_299 = arith.constant 1 : i32
            %add3A_300 = arith.addi %select_n3A, %add3A_299 : i32
            %mul3A_301 = arith.constant 16 : i32
            %mul3A_302 = arith.muli %add3A_298, %mul3A_301 : i32
            %add3A_303 = arith.addi %add3A_300, %mul3A_302 : i32
            %add3A_304 = arith.constant 0 : i32
            %add3A_305 = arith.addi %add3A_303, %add3A_304 : i32
            %iota3A_306 = tpu.iota {dimensions = array<i32: 0>} : vector<16xi32>
            %add3A_307 = vector.broadcast %add3A_305 : i32 to vector<16xi32>
            %add3A_308 = arith.addi %add3A_307, %iota3A_306 : vector<16xi32>
            %min3A_309 = vector.broadcast %squeeze3A_21 : i32 to vector<16xi32>
            %min3A_310 = arith.minsi %add3A_308, %min3A_309 : vector<16xi32>
            %broadcast_in_dim3A_311 = arith.constant 0 : i32
            %broadcast_in_dim3A_312 = vector.broadcast %broadcast_in_dim3A_311 : i32 to vector<16xi32>
            %add3A_313 = arith.constant 8 : i32
            %add3A_314 = vector.broadcast %add3A_313 : i32 to vector<16xi32>
            %add3A_315 = arith.addi %broadcast_in_dim3A_312, %add3A_314 : vector<16xi32>
            %broadcast_in_dim3A_316 = arith.constant 0 : i32
            %broadcast_in_dim3A_317 = vector.broadcast %broadcast_in_dim3A_316 : i32 to vector<16xi32>
            %add3A_318 = arith.constant 3143 : i32
            %add3A_319 = vector.broadcast %add3A_318 : i32 to vector<16xi32>
            %add3A_320 = arith.addi %broadcast_in_dim3A_317, %add3A_319 : vector<16xi32>
            %add3A_321 = arith.addi %add3A_315, %add3A_320 : vector<16xi32>
            %shift_right_arithmetic3A_322 = arith.constant 1 : i32
            %shift_right_arithmetic3A_323 = vector.broadcast %shift_right_arithmetic3A_322 : i32 to vector<16xi32>
            %shift_right_arithmetic3A_324 = arith.shrsi %add3A_321, %shift_right_arithmetic3A_323 : vector<16xi32>
            %gather3A_325 = tpu.vector_load_idx %arg6[%shift_right_arithmetic3A_324] : memref<3168xi32, #tpu.memory_space<vmem>>[vector<16xi32>], vector<16xi32>,
            %lt3A_326 = arith.cmpi slt, %gather3A_325, %min3A_310 : vector<16xi32>
            %add3A_327 = arith.constant 1 : i32
            %add3A_328 = vector.broadcast %add3A_327 : i32 to vector<16xi32>
            %add3A_329 = arith.addi %shift_right_arithmetic3A_324, %add3A_328 : vector<16xi32>
            %select_n3A_330 = arith.select %lt3A_326, %add3A_329, %add3A_315 : vector<16xi1>, vector<16xi32>
            %select_n3A_331 = arith.select %lt3A_326, %add3A_320, %shift_right_arithmetic3A_324 : vector<16xi1>, vector<16xi32>
            %add3A_332 = arith.addi %select_n3A_330, %select_n3A_331 : vector<16xi32>
            %shift_right_arithmetic3A_333 = arith.constant 1 : i32
            %shift_right_arithmetic3A_334 = vector.broadcast %shift_right_arithmetic3A_333 : i32 to vector<16xi32>
            %shift_right_arithmetic3A_335 = arith.shrsi %add3A_332, %shift_right_arithmetic3A_334 : vector<16xi32>
            %gather3A_336 = tpu.vector_load_idx %arg6[%shift_right_arithmetic3A_335] : memref<3168xi32, #tpu.memory_space<vmem>>[vector<16xi32>], vector<16xi32>,
            %lt3A_337 = arith.cmpi slt, %gather3A_336, %min3A_310 : vector<16xi32>
            %add3A_338 = arith.constant 1 : i32
            %add3A_339 = vector.broadcast %add3A_338 : i32 to vector<16xi32>
            %add3A_340 = arith.addi %shift_right_arithmetic3A_335, %add3A_339 : vector<16xi32>
            %select_n3A_341 = arith.select %lt3A_337, %add3A_340, %select_n3A_330 : vector<16xi1>, vector<16xi32>
            %select_n3A_342 = arith.select %lt3A_337, %select_n3A_331, %shift_right_arithmetic3A_335 : vector<16xi1>, vector<16xi32>
            %add3A_343 = arith.addi %select_n3A_341, %select_n3A_342 : vector<16xi32>
            %shift_right_arithmetic3A_344 = arith.constant 1 : i32
            %shift_right_arithmetic3A_345 = vector.broadcast %shift_right_arithmetic3A_344 : i32 to vector<16xi32>
            %shift_right_arithmetic3A_346 = arith.shrsi %add3A_343, %shift_right_arithmetic3A_345 : vector<16xi32>
            %gather3A_347 = tpu.vector_load_idx %arg6[%shift_right_arithmetic3A_346] : memref<3168xi32, #tpu.memory_space<vmem>>[vector<16xi32>], vector<16xi32>,
            %lt3A_348 = arith.cmpi slt, %gather3A_347, %min3A_310 : vector<16xi32>
            %add3A_349 = arith.constant 1 : i32
            %add3A_350 = vector.broadcast %add3A_349 : i32 to vector<16xi32>
            %add3A_351 = arith.addi %shift_right_arithmetic3A_346, %add3A_350 : vector<16xi32>
            %select_n3A_352 = arith.select %lt3A_348, %add3A_351, %select_n3A_341 : vector<16xi1>, vector<16xi32>
            %select_n3A_353 = arith.select %lt3A_348, %select_n3A_342, %shift_right_arithmetic3A_346 : vector<16xi1>, vector<16xi32>
            %add3A_354 = arith.addi %select_n3A_352, %select_n3A_353 : vector<16xi32>
            %shift_right_arithmetic3A_355 = arith.constant 1 : i32
            %shift_right_arithmetic3A_356 = vector.broadcast %shift_right_arithmetic3A_355 : i32 to vector<16xi32>
            %shift_right_arithmetic3A_357 = arith.shrsi %add3A_354, %shift_right_arithmetic3A_356 : vector<16xi32>
            %gather3A_358 = tpu.vector_load_idx %arg6[%shift_right_arithmetic3A_357] : memref<3168xi32, #tpu.memory_space<vmem>>[vector<16xi32>], vector<16xi32>,
            %lt3A_359 = arith.cmpi slt, %gather3A_358, %min3A_310 : vector<16xi32>
            %add3A_360 = arith.constant 1 : i32
            %add3A_361 = vector.broadcast %add3A_360 : i32 to vector<16xi32>
            %add3A_362 = arith.addi %shift_right_arithmetic3A_357, %add3A_361 : vector<16xi32>
            %select_n3A_363 = arith.select %lt3A_359, %add3A_362, %select_n3A_352 : vector<16xi1>, vector<16xi32>
            %select_n3A_364 = arith.select %lt3A_359, %select_n3A_353, %shift_right_arithmetic3A_357 : vector<16xi1>, vector<16xi32>
            %add3A_365 = arith.addi %select_n3A_363, %select_n3A_364 : vector<16xi32>
            %shift_right_arithmetic3A_366 = arith.constant 1 : i32
            %shift_right_arithmetic3A_367 = vector.broadcast %shift_right_arithmetic3A_366 : i32 to vector<16xi32>
            %shift_right_arithmetic3A_368 = arith.shrsi %add3A_365, %shift_right_arithmetic3A_367 : vector<16xi32>
            %gather3A_369 = tpu.vector_load_idx %arg6[%shift_right_arithmetic3A_368] : memref<3168xi32, #tpu.memory_space<vmem>>[vector<16xi32>], vector<16xi32>,
            %lt3A_370 = arith.cmpi slt, %gather3A_369, %min3A_310 : vector<16xi32>
            %add3A_371 = arith.constant 1 : i32
            %add3A_372 = vector.broadcast %add3A_371 : i32 to vector<16xi32>
            %add3A_373 = arith.addi %shift_right_arithmetic3A_368, %add3A_372 : vector<16xi32>
            %select_n3A_374 = arith.select %lt3A_370, %add3A_373, %select_n3A_363 : vector<16xi1>, vector<16xi32>
            %select_n3A_375 = arith.select %lt3A_370, %select_n3A_364, %shift_right_arithmetic3A_368 : vector<16xi1>, vector<16xi32>
            %add3A_376 = arith.addi %select_n3A_374, %select_n3A_375 : vector<16xi32>
            %shift_right_arithmetic3A_377 = arith.constant 1 : i32
            %shift_right_arithmetic3A_378 = vector.broadcast %shift_right_arithmetic3A_377 : i32 to vector<16xi32>
            %shift_right_arithmetic3A_379 = arith.shrsi %add3A_376, %shift_right_arithmetic3A_378 : vector<16xi32>
            %gather3A_380 = tpu.vector_load_idx %arg6[%shift_right_arithmetic3A_379] : memref<3168xi32, #tpu.memory_space<vmem>>[vector<16xi32>], vector<16xi32>,
            %lt3A_381 = arith.cmpi slt, %gather3A_380, %min3A_310 : vector<16xi32>
            %add3A_382 = arith.constant 1 : i32
            %add3A_383 = vector.broadcast %add3A_382 : i32 to vector<16xi32>
            %add3A_384 = arith.addi %shift_right_arithmetic3A_379, %add3A_383 : vector<16xi32>
            %select_n3A_385 = arith.select %lt3A_381, %add3A_384, %select_n3A_374 : vector<16xi1>, vector<16xi32>
            %select_n3A_386 = arith.select %lt3A_381, %select_n3A_375, %shift_right_arithmetic3A_379 : vector<16xi1>, vector<16xi32>
            %add3A_387 = arith.addi %select_n3A_385, %select_n3A_386 : vector<16xi32>
            %shift_right_arithmetic3A_388 = arith.constant 1 : i32
            %shift_right_arithmetic3A_389 = vector.broadcast %shift_right_arithmetic3A_388 : i32 to vector<16xi32>
            %shift_right_arithmetic3A_390 = arith.shrsi %add3A_387, %shift_right_arithmetic3A_389 : vector<16xi32>
            %gather3A_391 = tpu.vector_load_idx %arg6[%shift_right_arithmetic3A_390] : memref<3168xi32, #tpu.memory_space<vmem>>[vector<16xi32>], vector<16xi32>,
            %lt3A_392 = arith.cmpi slt, %gather3A_391, %min3A_310 : vector<16xi32>
            %add3A_393 = arith.constant 1 : i32
            %add3A_394 = vector.broadcast %add3A_393 : i32 to vector<16xi32>
            %add3A_395 = arith.addi %shift_right_arithmetic3A_390, %add3A_394 : vector<16xi32>
            %select_n3A_396 = arith.select %lt3A_392, %add3A_395, %select_n3A_385 : vector<16xi1>, vector<16xi32>
            %select_n3A_397 = arith.select %lt3A_392, %select_n3A_386, %shift_right_arithmetic3A_390 : vector<16xi1>, vector<16xi32>
            %add3A_398 = arith.addi %select_n3A_396, %select_n3A_397 : vector<16xi32>
            %shift_right_arithmetic3A_399 = arith.constant 1 : i32
            %shift_right_arithmetic3A_400 = vector.broadcast %shift_right_arithmetic3A_399 : i32 to vector<16xi32>
            %shift_right_arithmetic3A_401 = arith.shrsi %add3A_398, %shift_right_arithmetic3A_400 : vector<16xi32>
            %gather3A_402 = tpu.vector_load_idx %arg6[%shift_right_arithmetic3A_401] : memref<3168xi32, #tpu.memory_space<vmem>>[vector<16xi32>], vector<16xi32>,
            %lt3A_403 = arith.cmpi slt, %gather3A_402, %min3A_310 : vector<16xi32>
            %add3A_404 = arith.constant 1 : i32
            %add3A_405 = vector.broadcast %add3A_404 : i32 to vector<16xi32>
            %add3A_406 = arith.addi %shift_right_arithmetic3A_401, %add3A_405 : vector<16xi32>
            %select_n3A_407 = arith.select %lt3A_403, %add3A_406, %select_n3A_396 : vector<16xi1>, vector<16xi32>
            %select_n3A_408 = arith.select %lt3A_403, %select_n3A_397, %shift_right_arithmetic3A_401 : vector<16xi1>, vector<16xi32>
            %add3A_409 = arith.addi %select_n3A_407, %select_n3A_408 : vector<16xi32>
            %shift_right_arithmetic3A_410 = arith.constant 1 : i32
            %shift_right_arithmetic3A_411 = vector.broadcast %shift_right_arithmetic3A_410 : i32 to vector<16xi32>
            %shift_right_arithmetic3A_412 = arith.shrsi %add3A_409, %shift_right_arithmetic3A_411 : vector<16xi32>
            %gather3A_413 = tpu.vector_load_idx %arg6[%shift_right_arithmetic3A_412] : memref<3168xi32, #tpu.memory_space<vmem>>[vector<16xi32>], vector<16xi32>,
            %lt3A_414 = arith.cmpi slt, %gather3A_413, %min3A_310 : vector<16xi32>
            %add3A_415 = arith.constant 1 : i32
            %add3A_416 = vector.broadcast %add3A_415 : i32 to vector<16xi32>
            %add3A_417 = arith.addi %shift_right_arithmetic3A_412, %add3A_416 : vector<16xi32>
            %select_n3A_418 = arith.select %lt3A_414, %add3A_417, %select_n3A_407 : vector<16xi1>, vector<16xi32>
            %select_n3A_419 = arith.select %lt3A_414, %select_n3A_408, %shift_right_arithmetic3A_412 : vector<16xi1>, vector<16xi32>
            %add3A_420 = arith.addi %select_n3A_418, %select_n3A_419 : vector<16xi32>
            %shift_right_arithmetic3A_421 = arith.constant 1 : i32
            %shift_right_arithmetic3A_422 = vector.broadcast %shift_right_arithmetic3A_421 : i32 to vector<16xi32>
            %shift_right_arithmetic3A_423 = arith.shrsi %add3A_420, %shift_right_arithmetic3A_422 : vector<16xi32>
            %gather3A_424 = tpu.vector_load_idx %arg6[%shift_right_arithmetic3A_423] : memref<3168xi32, #tpu.memory_space<vmem>>[vector<16xi32>], vector<16xi32>,
            %lt3A_425 = arith.cmpi slt, %gather3A_424, %min3A_310 : vector<16xi32>
            %add3A_426 = arith.constant 1 : i32
            %add3A_427 = vector.broadcast %add3A_426 : i32 to vector<16xi32>
            %add3A_428 = arith.addi %shift_right_arithmetic3A_423, %add3A_427 : vector<16xi32>
            %select_n3A_429 = arith.select %lt3A_425, %add3A_428, %select_n3A_418 : vector<16xi1>, vector<16xi32>
            %select_n3A_430 = arith.select %lt3A_425, %select_n3A_419, %shift_right_arithmetic3A_423 : vector<16xi1>, vector<16xi32>
            %add3A_431 = arith.addi %select_n3A_429, %select_n3A_430 : vector<16xi32>
            %shift_right_arithmetic3A_432 = arith.constant 1 : i32
            %shift_right_arithmetic3A_433 = vector.broadcast %shift_right_arithmetic3A_432 : i32 to vector<16xi32>
            %shift_right_arithmetic3A_434 = arith.shrsi %add3A_431, %shift_right_arithmetic3A_433 : vector<16xi32>
            %gather3A_435 = tpu.vector_load_idx %arg6[%shift_right_arithmetic3A_434] : memref<3168xi32, #tpu.memory_space<vmem>>[vector<16xi32>], vector<16xi32>,
            %lt3A_436 = arith.cmpi slt, %gather3A_435, %min3A_310 : vector<16xi32>
            %add3A_437 = arith.constant 1 : i32
            %add3A_438 = vector.broadcast %add3A_437 : i32 to vector<16xi32>
            %add3A_439 = arith.addi %shift_right_arithmetic3A_434, %add3A_438 : vector<16xi32>
            %select_n3A_440 = arith.select %lt3A_436, %add3A_439, %select_n3A_429 : vector<16xi1>, vector<16xi32>
            %select_n3A_441 = arith.select %lt3A_436, %select_n3A_430, %shift_right_arithmetic3A_434 : vector<16xi1>, vector<16xi32>
            %add3A_442 = arith.addi %select_n3A_440, %select_n3A_441 : vector<16xi32>
            %shift_right_arithmetic3A_443 = arith.constant 1 : i32
            %shift_right_arithmetic3A_444 = vector.broadcast %shift_right_arithmetic3A_443 : i32 to vector<16xi32>
            %shift_right_arithmetic3A_445 = arith.shrsi %add3A_442, %shift_right_arithmetic3A_444 : vector<16xi32>
            %gather3A_446 = tpu.vector_load_idx %arg6[%shift_right_arithmetic3A_445] : memref<3168xi32, #tpu.memory_space<vmem>>[vector<16xi32>], vector<16xi32>,
            %lt3A_447 = arith.cmpi slt, %gather3A_446, %min3A_310 : vector<16xi32>
            %add3A_448 = arith.constant 1 : i32
            %add3A_449 = vector.broadcast %add3A_448 : i32 to vector<16xi32>
            %add3A_450 = arith.addi %shift_right_arithmetic3A_445, %add3A_449 : vector<16xi32>
            %select_n3A_451 = arith.select %lt3A_447, %add3A_450, %select_n3A_440 : vector<16xi1>, vector<16xi32>
            %select_n3A_452 = arith.select %lt3A_447, %select_n3A_441, %shift_right_arithmetic3A_445 : vector<16xi1>, vector<16xi32>
            %add3A_453 = vector.broadcast %mul3A_2 : i32 to vector<16xi32>
            %add3A_454 = arith.addi %add3A_453, %select_n3A_451 : vector<16xi32>
            %sub3A_455 = arith.constant 8 : i32
            %sub3A_456 = vector.broadcast %sub3A_455 : i32 to vector<16xi32>
            %sub3A_457 = arith.subi %add3A_454, %sub3A_456 : vector<16xi32>
            %gather3A_458 = tpu.vector_load_idx %arg7[%min3A_310] : memref<4096xi32, #tpu.memory_space<vmem>>[vector<16xi32>], vector<16xi32>,
            %add3A_459 = arith.addi %sub3A_457, %gather3A_458 : vector<16xi32>
            %swap3A_460 = arith.constant 0 : i32
            %swap3A_461 = arith.index_cast %swap3A_460 : i32 to index
            %swap3A_462 = arith.constant 0 : index
            %swap3A_463 = tpu.vector_load %arg8[%swap3A_461, %swap3A_462] {strides = array<i32>} : memref<1x16xi32, #tpu.memory_space<vmem>>, vector<16xi32>,
            tpu.vector_store %arg8[%swap3A_461, %swap3A_462], %add3A_459 {strides = array<i32>} : memref<1x16xi32, #tpu.memory_space<vmem>>, vector<16xi32>,
            %swap3A_464 = arith.constant 0 : i32
            %swap3A_465 = arith.index_cast %swap3A_464 : i32 to index
            %swap3A_466 = arith.constant 0 : index
            %swap3A_467 = tpu.vector_load %arg9[%swap3A_465, %swap3A_466] {strides = array<i32>} : memref<1x16xi32, #tpu.memory_space<vmem>>, vector<16xi32>,
            tpu.vector_store %arg9[%swap3A_465, %swap3A_466], %min3A_310 {strides = array<i32>} : memref<1x16xi32, #tpu.memory_space<vmem>>, vector<16xi32>,
            %dma_start3A_468 = arith.constant 0 : i32
            %dma_start3A_469 = arith.constant 0 : i32
            %dma_start3A_470 = tpu.memref_slice %arg8[%dma_start3A_468, %dma_start3A_469] : memref<1x16xi32, #tpu.memory_space<vmem>> -> memref<1x16xi32, #tpu.memory_space<vmem>>
            %dma_start3A_471 = tpu.memref_squeeze %dma_start3A_470 : memref<1x16xi32, #tpu.memory_space<vmem>> -> memref<16xi32, #tpu.memory_space<vmem>>
            %dma_start3A_472 = arith.constant 0 : i32
            %dma_start3A_473 = arith.constant 0 : i32
            %dma_start3A_474 = tpu.memref_slice %arg4[%dma_start3A_472, %dma_start3A_473] : memref<100000x128xf32, #tpu.memory_space<hbm>> -> memref<100000x128xf32, #tpu.memory_space<hbm>>
            tpu.enqueue_indirect_dma source(%dma_start3A_474 : memref<100000x128xf32, #tpu.memory_space<hbm>>) target(%arg12 : memref<16x128xf32, #tpu.memory_space<vmem>>) offsets(%dma_start3A_471 : memref<16xi32, #tpu.memory_space<vmem>>) semaphore(%arg15 : memref<!tpu.dma_semaphore, #tpu.memory_space<semaphore_mem>>)
          } else {
          }
          %dma_start3A_283 = arith.constant 0 : i32
          %dma_start3A_284 = arith.constant 0 : i32
          %dma_start3A_285 = tpu.memref_slice %arg11[%dma_start3A_283, %dma_start3A_284] : memref<1x16xi32, #tpu.memory_space<vmem>> -> memref<1x16xi32, #tpu.memory_space<vmem>>
          %dma_start3A_286 = tpu.memref_squeeze %dma_start3A_285 : memref<1x16xi32, #tpu.memory_space<vmem>> -> memref<16xi32, #tpu.memory_space<vmem>>
          %dma_start3A_287 = arith.constant 0 : i32
          %dma_start3A_288 = arith.constant 0 : i32
          %dma_start3A_289 = tpu.memref_slice %arg5[%dma_start3A_287, %dma_start3A_288] : memref<4096x128xf32, #tpu.memory_space<hbm>> -> memref<4096x128xf32, #tpu.memory_space<hbm>>
          tpu.enqueue_indirect_dma source(%arg13 : memref<16x128xf32, #tpu.memory_space<vmem>>) target(%dma_start3A_289 : memref<4096x128xf32, #tpu.memory_space<hbm>>) offsets(%dma_start3A_286 : memref<16xi32, #tpu.memory_space<vmem>>) semaphore(%arg16 : memref<!tpu.dma_semaphore, #tpu.memory_space<semaphore_mem>>)
          %dma_wait3A_290 = arith.constant 0 : i32
          %dma_wait3A_291 = arith.constant 0 : i32
          %dma_wait3A_292 = tpu.memref_slice %arg11[%dma_wait3A_290, %dma_wait3A_291] : memref<1x16xi32, #tpu.memory_space<vmem>> -> memref<1x16xi32, #tpu.memory_space<vmem>>
          %dma_wait3A_293 = tpu.memref_squeeze %dma_wait3A_292 : memref<1x16xi32, #tpu.memory_space<vmem>> -> memref<16xi32, #tpu.memory_space<vmem>>
          %dma_wait3A_294 = arith.constant 0 : i32
          %dma_wait3A_295 = arith.constant 0 : i32
          %dma_wait3A_296 = tpu.memref_slice %arg5[%dma_wait3A_294, %dma_wait3A_295] : memref<4096x128xf32, #tpu.memory_space<hbm>> -> memref<4096x128xf32, #tpu.memory_space<hbm>>
          tpu.wait_indirect_dma semaphore(%arg16 : memref<!tpu.dma_semaphore, #tpu.memory_space<semaphore_mem>>) src(%arg13 : memref<16x128xf32, #tpu.memory_space<vmem>>) dst(%dma_wait3A_296 : memref<4096x128xf32, #tpu.memory_space<hbm>>)
        } else {
        }
      }
      %while3A_227 = arith.constant 1 : i32
      scf.for %while3A_228 = %while3A_225 to %while3A_221 step %while3A_227  : i32 {
        %jit3A_229 = arith.constant 2 : i32
        %eq3A_230 = arith.constant 0 : i32
        %eq3A_231 = arith.cmpi eq, %jit3A_229, %eq3A_230 : i32
        %jit3A_232 = arith.constant 1 : i32
        %select_n3A_233 = arith.select %eq3A_231, %jit3A_232, %jit3A_229 : i32
        %rem3A_234 = arith.remsi %while3A_228, %select_n3A_233 : i32
        %ne3A_235 = arith.constant 0 : i32
        %ne3A_236 = arith.cmpi ne, %rem3A_234, %ne3A_235 : i32
        %lt3A_237 = arith.constant 0 : i32
        %lt3A_238 = arith.cmpi slt, %rem3A_234, %lt3A_237 : i32
        %lt3A_239 = arith.constant 0 : i32
        %lt3A_240 = arith.cmpi slt, %select_n3A_233, %lt3A_239 : i32
        %ne3A_241 = arith.xori %lt3A_238, %lt3A_240 : i1
        %and3A_242 = arith.andi %ne3A_241, %ne3A_236 : i1
        %add3A_243 = arith.addi %rem3A_234, %select_n3A_233 : i32
        %select_n3A_244 = arith.select %and3A_242, %add3A_243, %rem3A_234 : i32
        %eq3A_245 = arith.constant 0 : i32
        %eq3A_246 = arith.cmpi eq, %select_n3A_244, %eq3A_245 : i32
        %convert_element_type3A_247 = arith.extui %eq3A_246 : i1 to i32
        %cond3A_248 = arith.constant 0 : i32
        %cond3A_249 = arith.cmpi ne, %convert_element_type3A_247, %cond3A_248 : i32
        scf.if %cond3A_249 {
          %dma_wait3A = arith.constant 0 : i32
          %dma_wait3A_271 = arith.constant 0 : i32
          %dma_wait3A_272 = tpu.memref_slice %arg8[%dma_wait3A, %dma_wait3A_271] : memref<1x16xi32, #tpu.memory_space<vmem>> -> memref<1x16xi32, #tpu.memory_space<vmem>>
          %dma_wait3A_273 = tpu.memref_squeeze %dma_wait3A_272 : memref<1x16xi32, #tpu.memory_space<vmem>> -> memref<16xi32, #tpu.memory_space<vmem>>
          %dma_wait3A_274 = arith.constant 0 : i32
          %dma_wait3A_275 = arith.constant 0 : i32
          %dma_wait3A_276 = tpu.memref_slice %arg4[%dma_wait3A_274, %dma_wait3A_275] : memref<100000x128xf32, #tpu.memory_space<hbm>> -> memref<100000x128xf32, #tpu.memory_space<hbm>>
          tpu.wait_indirect_dma semaphore(%arg15 : memref<!tpu.dma_semaphore, #tpu.memory_space<semaphore_mem>>) src(%dma_wait3A_276 : memref<100000x128xf32, #tpu.memory_space<hbm>>) dst(%arg12 : memref<16x128xf32, #tpu.memory_space<vmem>>)
          %add3A_277 = arith.constant 1 : i32
          %add3A_278 = arith.addi %while3A_228, %add3A_277 : i32
          %lt3A_279 = arith.cmpi slt, %add3A_278, %select_n3A_50 : i32
          %convert_element_type3A_280 = arith.extui %lt3A_279 : i1 to i32
          %cond3A_281 = arith.constant 0 : i32
          %cond3A_282 = arith.cmpi ne, %convert_element_type3A_280, %cond3A_281 : i32
          scf.if %cond3A_282 {
            %add3A_297 = arith.constant 1 : i32
            %add3A_298 = arith.addi %while3A_228, %add3A_297 : i32
            %add3A_299 = arith.constant 1 : i32
            %add3A_300 = arith.addi %select_n3A, %add3A_299 : i32
            %mul3A_301 = arith.constant 16 : i32
            %mul3A_302 = arith.muli %add3A_298, %mul3A_301 : i32
            %add3A_303 = arith.addi %add3A_300, %mul3A_302 : i32
            %add3A_304 = arith.constant 0 : i32
            %add3A_305 = arith.addi %add3A_303, %add3A_304 : i32
            %iota3A_306 = tpu.iota {dimensions = array<i32: 0>} : vector<16xi32>
            %add3A_307 = vector.broadcast %add3A_305 : i32 to vector<16xi32>
            %add3A_308 = arith.addi %add3A_307, %iota3A_306 : vector<16xi32>
            %min3A_309 = vector.broadcast %squeeze3A_21 : i32 to vector<16xi32>
            %min3A_310 = arith.minsi %add3A_308, %min3A_309 : vector<16xi32>
            %broadcast_in_dim3A_311 = arith.constant 0 : i32
            %broadcast_in_dim3A_312 = vector.broadcast %broadcast_in_dim3A_311 : i32 to vector<16xi32>
            %add3A_313 = arith.constant 8 : i32
            %add3A_314 = vector.broadcast %add3A_313 : i32 to vector<16xi32>
            %add3A_315 = arith.addi %broadcast_in_dim3A_312, %add3A_314 : vector<16xi32>
            %broadcast_in_dim3A_316 = arith.constant 0 : i32
            %broadcast_in_dim3A_317 = vector.broadcast %broadcast_in_dim3A_316 : i32 to vector<16xi32>
            %add3A_318 = arith.constant 3143 : i32
            %add3A_319 = vector.broadcast %add3A_318 : i32 to vector<16xi32>
            %add3A_320 = arith.addi %broadcast_in_dim3A_317, %add3A_319 : vector<16xi32>
            %add3A_321 = arith.addi %add3A_315, %add3A_320 : vector<16xi32>
            %shift_right_arithmetic3A_322 = arith.constant 1 : i32
            %shift_right_arithmetic3A_323 = vector.broadcast %shift_right_arithmetic3A_322 : i32 to vector<16xi32>
            %shift_right_arithmetic3A_324 = arith.shrsi %add3A_321, %shift_right_arithmetic3A_323 : vector<16xi32>
            %gather3A_325 = tpu.vector_load_idx %arg6[%shift_right_arithmetic3A_324] : memref<3168xi32, #tpu.memory_space<vmem>>[vector<16xi32>], vector<16xi32>,
            %lt3A_326 = arith.cmpi slt, %gather3A_325, %min3A_310 : vector<16xi32>
            %add3A_327 = arith.constant 1 : i32
            %add3A_328 = vector.broadcast %add3A_327 : i32 to vector<16xi32>
            %add3A_329 = arith.addi %shift_right_arithmetic3A_324, %add3A_328 : vector<16xi32>
            %select_n3A_330 = arith.select %lt3A_326, %add3A_329, %add3A_315 : vector<16xi1>, vector<16xi32>
            %select_n3A_331 = arith.select %lt3A_326, %add3A_320, %shift_right_arithmetic3A_324 : vector<16xi1>, vector<16xi32>
            %add3A_332 = arith.addi %select_n3A_330, %select_n3A_331 : vector<16xi32>
            %shift_right_arithmetic3A_333 = arith.constant 1 : i32
            %shift_right_arithmetic3A_334 = vector.broadcast %shift_right_arithmetic3A_333 : i32 to vector<16xi32>
            %shift_right_arithmetic3A_335 = arith.shrsi %add3A_332, %shift_right_arithmetic3A_334 : vector<16xi32>
            %gather3A_336 = tpu.vector_load_idx %arg6[%shift_right_arithmetic3A_335] : memref<3168xi32, #tpu.memory_space<vmem>>[vector<16xi32>], vector<16xi32>,
            %lt3A_337 = arith.cmpi slt, %gather3A_336, %min3A_310 : vector<16xi32>
            %add3A_338 = arith.constant 1 : i32
            %add3A_339 = vector.broadcast %add3A_338 : i32 to vector<16xi32>
            %add3A_340 = arith.addi %shift_right_arithmetic3A_335, %add3A_339 : vector<16xi32>
            %select_n3A_341 = arith.select %lt3A_337, %add3A_340, %select_n3A_330 : vector<16xi1>, vector<16xi32>
            %select_n3A_342 = arith.select %lt3A_337, %select_n3A_331, %shift_right_arithmetic3A_335 : vector<16xi1>, vector<16xi32>
            %add3A_343 = arith.addi %select_n3A_341, %select_n3A_342 : vector<16xi32>
            %shift_right_arithmetic3A_344 = arith.constant 1 : i32
            %shift_right_arithmetic3A_345 = vector.broadcast %shift_right_arithmetic3A_344 : i32 to vector<16xi32>
            %shift_right_arithmetic3A_346 = arith.shrsi %add3A_343, %shift_right_arithmetic3A_345 : vector<16xi32>
            %gather3A_347 = tpu.vector_load_idx %arg6[%shift_right_arithmetic3A_346] : memref<3168xi32, #tpu.memory_space<vmem>>[vector<16xi32>], vector<16xi32>,
            %lt3A_348 = arith.cmpi slt, %gather3A_347, %min3A_310 : vector<16xi32>
            %add3A_349 = arith.constant 1 : i32
            %add3A_350 = vector.broadcast %add3A_349 : i32 to vector<16xi32>
            %add3A_351 = arith.addi %shift_right_arithmetic3A_346, %add3A_350 : vector<16xi32>
            %select_n3A_352 = arith.select %lt3A_348, %add3A_351, %select_n3A_341 : vector<16xi1>, vector<16xi32>
            %select_n3A_353 = arith.select %lt3A_348, %select_n3A_342, %shift_right_arithmetic3A_346 : vector<16xi1>, vector<16xi32>
            %add3A_354 = arith.addi %select_n3A_352, %select_n3A_353 : vector<16xi32>
            %shift_right_arithmetic3A_355 = arith.constant 1 : i32
            %shift_right_arithmetic3A_356 = vector.broadcast %shift_right_arithmetic3A_355 : i32 to vector<16xi32>
            %shift_right_arithmetic3A_357 = arith.shrsi %add3A_354, %shift_right_arithmetic3A_356 : vector<16xi32>
            %gather3A_358 = tpu.vector_load_idx %arg6[%shift_right_arithmetic3A_357] : memref<3168xi32, #tpu.memory_space<vmem>>[vector<16xi32>], vector<16xi32>,
            %lt3A_359 = arith.cmpi slt, %gather3A_358, %min3A_310 : vector<16xi32>
            %add3A_360 = arith.constant 1 : i32
            %add3A_361 = vector.broadcast %add3A_360 : i32 to vector<16xi32>
            %add3A_362 = arith.addi %shift_right_arithmetic3A_357, %add3A_361 : vector<16xi32>
            %select_n3A_363 = arith.select %lt3A_359, %add3A_362, %select_n3A_352 : vector<16xi1>, vector<16xi32>
            %select_n3A_364 = arith.select %lt3A_359, %select_n3A_353, %shift_right_arithmetic3A_357 : vector<16xi1>, vector<16xi32>
            %add3A_365 = arith.addi %select_n3A_363, %select_n3A_364 : vector<16xi32>
            %shift_right_arithmetic3A_366 = arith.constant 1 : i32
            %shift_right_arithmetic3A_367 = vector.broadcast %shift_right_arithmetic3A_366 : i32 to vector<16xi32>
            %shift_right_arithmetic3A_368 = arith.shrsi %add3A_365, %shift_right_arithmetic3A_367 : vector<16xi32>
            %gather3A_369 = tpu.vector_load_idx %arg6[%shift_right_arithmetic3A_368] : memref<3168xi32, #tpu.memory_space<vmem>>[vector<16xi32>], vector<16xi32>,
            %lt3A_370 = arith.cmpi slt, %gather3A_369, %min3A_310 : vector<16xi32>
            %add3A_371 = arith.constant 1 : i32
            %add3A_372 = vector.broadcast %add3A_371 : i32 to vector<16xi32>
            %add3A_373 = arith.addi %shift_right_arithmetic3A_368, %add3A_372 : vector<16xi32>
            %select_n3A_374 = arith.select %lt3A_370, %add3A_373, %select_n3A_363 : vector<16xi1>, vector<16xi32>
            %select_n3A_375 = arith.select %lt3A_370, %select_n3A_364, %shift_right_arithmetic3A_368 : vector<16xi1>, vector<16xi32>
            %add3A_376 = arith.addi %select_n3A_374, %select_n3A_375 : vector<16xi32>
            %shift_right_arithmetic3A_377 = arith.constant 1 : i32
            %shift_right_arithmetic3A_378 = vector.broadcast %shift_right_arithmetic3A_377 : i32 to vector<16xi32>
            %shift_right_arithmetic3A_379 = arith.shrsi %add3A_376, %shift_right_arithmetic3A_378 : vector<16xi32>
            %gather3A_380 = tpu.vector_load_idx %arg6[%shift_right_arithmetic3A_379] : memref<3168xi32, #tpu.memory_space<vmem>>[vector<16xi32>], vector<16xi32>,
            %lt3A_381 = arith.cmpi slt, %gather3A_380, %min3A_310 : vector<16xi32>
            %add3A_382 = arith.constant 1 : i32
            %add3A_383 = vector.broadcast %add3A_382 : i32 to vector<16xi32>
            %add3A_384 = arith.addi %shift_right_arithmetic3A_379, %add3A_383 : vector<16xi32>
            %select_n3A_385 = arith.select %lt3A_381, %add3A_384, %select_n3A_374 : vector<16xi1>, vector<16xi32>
            %select_n3A_386 = arith.select %lt3A_381, %select_n3A_375, %shift_right_arithmetic3A_379 : vector<16xi1>, vector<16xi32>
            %add3A_387 = arith.addi %select_n3A_385, %select_n3A_386 : vector<16xi32>
            %shift_right_arithmetic3A_388 = arith.constant 1 : i32
            %shift_right_arithmetic3A_389 = vector.broadcast %shift_right_arithmetic3A_388 : i32 to vector<16xi32>
            %shift_right_arithmetic3A_390 = arith.shrsi %add3A_387, %shift_right_arithmetic3A_389 : vector<16xi32>
            %gather3A_391 = tpu.vector_load_idx %arg6[%shift_right_arithmetic3A_390] : memref<3168xi32, #tpu.memory_space<vmem>>[vector<16xi32>], vector<16xi32>,
            %lt3A_392 = arith.cmpi slt, %gather3A_391, %min3A_310 : vector<16xi32>
            %add3A_393 = arith.constant 1 : i32
            %add3A_394 = vector.broadcast %add3A_393 : i32 to vector<16xi32>
            %add3A_395 = arith.addi %shift_right_arithmetic3A_390, %add3A_394 : vector<16xi32>
            %select_n3A_396 = arith.select %lt3A_392, %add3A_395, %select_n3A_385 : vector<16xi1>, vector<16xi32>
            %select_n3A_397 = arith.select %lt3A_392, %select_n3A_386, %shift_right_arithmetic3A_390 : vector<16xi1>, vector<16xi32>
            %add3A_398 = arith.addi %select_n3A_396, %select_n3A_397 : vector<16xi32>
            %shift_right_arithmetic3A_399 = arith.constant 1 : i32
            %shift_right_arithmetic3A_400 = vector.broadcast %shift_right_arithmetic3A_399 : i32 to vector<16xi32>
            %shift_right_arithmetic3A_401 = arith.shrsi %add3A_398, %shift_right_arithmetic3A_400 : vector<16xi32>
            %gather3A_402 = tpu.vector_load_idx %arg6[%shift_right_arithmetic3A_401] : memref<3168xi32, #tpu.memory_space<vmem>>[vector<16xi32>], vector<16xi32>,
            %lt3A_403 = arith.cmpi slt, %gather3A_402, %min3A_310 : vector<16xi32>
            %add3A_404 = arith.constant 1 : i32
            %add3A_405 = vector.broadcast %add3A_404 : i32 to vector<16xi32>
            %add3A_406 = arith.addi %shift_right_arithmetic3A_401, %add3A_405 : vector<16xi32>
            %select_n3A_407 = arith.select %lt3A_403, %add3A_406, %select_n3A_396 : vector<16xi1>, vector<16xi32>
            %select_n3A_408 = arith.select %lt3A_403, %select_n3A_397, %shift_right_arithmetic3A_401 : vector<16xi1>, vector<16xi32>
            %add3A_409 = arith.addi %select_n3A_407, %select_n3A_408 : vector<16xi32>
            %shift_right_arithmetic3A_410 = arith.constant 1 : i32
            %shift_right_arithmetic3A_411 = vector.broadcast %shift_right_arithmetic3A_410 : i32 to vector<16xi32>
            %shift_right_arithmetic3A_412 = arith.shrsi %add3A_409, %shift_right_arithmetic3A_411 : vector<16xi32>
            %gather3A_413 = tpu.vector_load_idx %arg6[%shift_right_arithmetic3A_412] : memref<3168xi32, #tpu.memory_space<vmem>>[vector<16xi32>], vector<16xi32>,
            %lt3A_414 = arith.cmpi slt, %gather3A_413, %min3A_310 : vector<16xi32>
            %add3A_415 = arith.constant 1 : i32
            %add3A_416 = vector.broadcast %add3A_415 : i32 to vector<16xi32>
            %add3A_417 = arith.addi %shift_right_arithmetic3A_412, %add3A_416 : vector<16xi32>
            %select_n3A_418 = arith.select %lt3A_414, %add3A_417, %select_n3A_407 : vector<16xi1>, vector<16xi32>
            %select_n3A_419 = arith.select %lt3A_414, %select_n3A_408, %shift_right_arithmetic3A_412 : vector<16xi1>, vector<16xi32>
            %add3A_420 = arith.addi %select_n3A_418, %select_n3A_419 : vector<16xi32>
            %shift_right_arithmetic3A_421 = arith.constant 1 : i32
            %shift_right_arithmetic3A_422 = vector.broadcast %shift_right_arithmetic3A_421 : i32 to vector<16xi32>
            %shift_right_arithmetic3A_423 = arith.shrsi %add3A_420, %shift_right_arithmetic3A_422 : vector<16xi32>
            %gather3A_424 = tpu.vector_load_idx %arg6[%shift_right_arithmetic3A_423] : memref<3168xi32, #tpu.memory_space<vmem>>[vector<16xi32>], vector<16xi32>,
            %lt3A_425 = arith.cmpi slt, %gather3A_424, %min3A_310 : vector<16xi32>
            %add3A_426 = arith.constant 1 : i32
            %add3A_427 = vector.broadcast %add3A_426 : i32 to vector<16xi32>
            %add3A_428 = arith.addi %shift_right_arithmetic3A_423, %add3A_427 : vector<16xi32>
            %select_n3A_429 = arith.select %lt3A_425, %add3A_428, %select_n3A_418 : vector<16xi1>, vector<16xi32>
            %select_n3A_430 = arith.select %lt3A_425, %select_n3A_419, %shift_right_arithmetic3A_423 : vector<16xi1>, vector<16xi32>
            %add3A_431 = arith.addi %select_n3A_429, %select_n3A_430 : vector<16xi32>
            %shift_right_arithmetic3A_432 = arith.constant 1 : i32
            %shift_right_arithmetic3A_433 = vector.broadcast %shift_right_arithmetic3A_432 : i32 to vector<16xi32>
            %shift_right_arithmetic3A_434 = arith.shrsi %add3A_431, %shift_right_arithmetic3A_433 : vector<16xi32>
            %gather3A_435 = tpu.vector_load_idx %arg6[%shift_right_arithmetic3A_434] : memref<3168xi32, #tpu.memory_space<vmem>>[vector<16xi32>], vector<16xi32>,
            %lt3A_436 = arith.cmpi slt, %gather3A_435, %min3A_310 : vector<16xi32>
            %add3A_437 = arith.constant 1 : i32
            %add3A_438 = vector.broadcast %add3A_437 : i32 to vector<16xi32>
            %add3A_439 = arith.addi %shift_right_arithmetic3A_434, %add3A_438 : vector<16xi32>
            %select_n3A_440 = arith.select %lt3A_436, %add3A_439, %select_n3A_429 : vector<16xi1>, vector<16xi32>
            %select_n3A_441 = arith.select %lt3A_436, %select_n3A_430, %shift_right_arithmetic3A_434 : vector<16xi1>, vector<16xi32>
            %add3A_442 = arith.addi %select_n3A_440, %select_n3A_441 : vector<16xi32>
            %shift_right_arithmetic3A_443 = arith.constant 1 : i32
            %shift_right_arithmetic3A_444 = vector.broadcast %shift_right_arithmetic3A_443 : i32 to vector<16xi32>
            %shift_right_arithmetic3A_445 = arith.shrsi %add3A_442, %shift_right_arithmetic3A_444 : vector<16xi32>
            %gather3A_446 = tpu.vector_load_idx %arg6[%shift_right_arithmetic3A_445] : memref<3168xi32, #tpu.memory_space<vmem>>[vector<16xi32>], vector<16xi32>,
            %lt3A_447 = arith.cmpi slt, %gather3A_446, %min3A_310 : vector<16xi32>
            %add3A_448 = arith.constant 1 : i32
            %add3A_449 = vector.broadcast %add3A_448 : i32 to vector<16xi32>
            %add3A_450 = arith.addi %shift_right_arithmetic3A_445, %add3A_449 : vector<16xi32>
            %select_n3A_451 = arith.select %lt3A_447, %add3A_450, %select_n3A_440 : vector<16xi1>, vector<16xi32>
            %select_n3A_452 = arith.select %lt3A_447, %select_n3A_441, %shift_right_arithmetic3A_445 : vector<16xi1>, vector<16xi32>
            %add3A_453 = vector.broadcast %mul3A_2 : i32 to vector<16xi32>
            %add3A_454 = arith.addi %add3A_453, %select_n3A_451 : vector<16xi32>
            %sub3A_455 = arith.constant 8 : i32
            %sub3A_456 = vector.broadcast %sub3A_455 : i32 to vector<16xi32>
            %sub3A_457 = arith.subi %add3A_454, %sub3A_456 : vector<16xi32>
            %gather3A_458 = tpu.vector_load_idx %arg7[%min3A_310] : memref<4096xi32, #tpu.memory_space<vmem>>[vector<16xi32>], vector<16xi32>,
            %add3A_459 = arith.addi %sub3A_457, %gather3A_458 : vector<16xi32>
            %swap3A_460 = arith.constant 0 : i32
            %swap3A_461 = arith.index_cast %swap3A_460 : i32 to index
            %swap3A_462 = arith.constant 0 : index
            %swap3A_463 = tpu.vector_load %arg10[%swap3A_461, %swap3A_462] {strides = array<i32>} : memref<1x16xi32, #tpu.memory_space<vmem>>, vector<16xi32>,
            tpu.vector_store %arg10[%swap3A_461, %swap3A_462], %add3A_459 {strides = array<i32>} : memref<1x16xi32, #tpu.memory_space<vmem>>, vector<16xi32>,
            %swap3A_464 = arith.constant 0 : i32
            %swap3A_465 = arith.index_cast %swap3A_464 : i32 to index
            %swap3A_466 = arith.constant 0 : index
            %swap3A_467 = tpu.vector_load %arg11[%swap3A_465, %swap3A_466] {strides = array<i32>} : memref<1x16xi32, #tpu.memory_space<vmem>>, vector<16xi32>,
            tpu.vector_store %arg11[%swap3A_465, %swap3A_466], %min3A_310 {strides = array<i32>} : memref<1x16xi32, #tpu.memory_space<vmem>>, vector<16xi32>,
            %dma_start3A_468 = arith.constant 0 : i32
            %dma_start3A_469 = arith.constant 0 : i32
            %dma_start3A_470 = tpu.memref_slice %arg10[%dma_start3A_468, %dma_start3A_469] : memref<1x16xi32, #tpu.memory_space<vmem>> -> memref<1x16xi32, #tpu.memory_space<vmem>>
            %dma_start3A_471 = tpu.memref_squeeze %dma_start3A_470 : memref<1x16xi32, #tpu.memory_space<vmem>> -> memref<16xi32, #tpu.memory_space<vmem>>
            %dma_start3A_472 = arith.constant 0 : i32
            %dma_start3A_473 = arith.constant 0 : i32
            %dma_start3A_474 = tpu.memref_slice %arg4[%dma_start3A_472, %dma_start3A_473] : memref<100000x128xf32, #tpu.memory_space<hbm>> -> memref<100000x128xf32, #tpu.memory_space<hbm>>
            tpu.enqueue_indirect_dma source(%dma_start3A_474 : memref<100000x128xf32, #tpu.memory_space<hbm>>) target(%arg13 : memref<16x128xf32, #tpu.memory_space<vmem>>) offsets(%dma_start3A_471 : memref<16xi32, #tpu.memory_space<vmem>>) semaphore(%arg15 : memref<!tpu.dma_semaphore, #tpu.memory_space<semaphore_mem>>)
          } else {
          }
          %dma_start3A_283 = arith.constant 0 : i32
          %dma_start3A_284 = arith.constant 0 : i32
          %dma_start3A_285 = tpu.memref_slice %arg9[%dma_start3A_283, %dma_start3A_284] : memref<1x16xi32, #tpu.memory_space<vmem>> -> memref<1x16xi32, #tpu.memory_space<vmem>>
          %dma_start3A_286 = tpu.memref_squeeze %dma_start3A_285 : memref<1x16xi32, #tpu.memory_space<vmem>> -> memref<16xi32, #tpu.memory_space<vmem>>
          %dma_start3A_287 = arith.constant 0 : i32
          %dma_start3A_288 = arith.constant 0 : i32
          %dma_start3A_289 = tpu.memref_slice %arg5[%dma_start3A_287, %dma_start3A_288] : memref<4096x128xf32, #tpu.memory_space<hbm>> -> memref<4096x128xf32, #tpu.memory_space<hbm>>
          tpu.enqueue_indirect_dma source(%arg12 : memref<16x128xf32, #tpu.memory_space<vmem>>) target(%dma_start3A_289 : memref<4096x128xf32, #tpu.memory_space<hbm>>) offsets(%dma_start3A_286 : memref<16xi32, #tpu.memory_space<vmem>>) semaphore(%arg16 : memref<!tpu.dma_semaphore, #tpu.memory_space<semaphore_mem>>)
          %dma_wait3A_290 = arith.constant 0 : i32
          %dma_wait3A_291 = arith.constant 0 : i32
          %dma_wait3A_292 = tpu.memref_slice %arg9[%dma_wait3A_290, %dma_wait3A_291] : memref<1x16xi32, #tpu.memory_space<vmem>> -> memref<1x16xi32, #tpu.memory_space<vmem>>
          %dma_wait3A_293 = tpu.memref_squeeze %dma_wait3A_292 : memref<1x16xi32, #tpu.memory_space<vmem>> -> memref<16xi32, #tpu.memory_space<vmem>>
          %dma_wait3A_294 = arith.constant 0 : i32
          %dma_wait3A_295 = arith.constant 0 : i32
          %dma_wait3A_296 = tpu.memref_slice %arg5[%dma_wait3A_294, %dma_wait3A_295] : memref<4096x128xf32, #tpu.memory_space<hbm>> -> memref<4096x128xf32, #tpu.memory_space<hbm>>
          tpu.wait_indirect_dma semaphore(%arg16 : memref<!tpu.dma_semaphore, #tpu.memory_space<semaphore_mem>>) src(%arg12 : memref<16x128xf32, #tpu.memory_space<vmem>>) dst(%dma_wait3A_296 : memref<4096x128xf32, #tpu.memory_space<hbm>>)
        } else {
        }
        %jit3A_250 = arith.constant 2 : i32
        %eq3A_251 = arith.constant 0 : i32
        %eq3A_252 = arith.cmpi eq, %jit3A_250, %eq3A_251 : i32
        %jit3A_253 = arith.constant 1 : i32
        %select_n3A_254 = arith.select %eq3A_252, %jit3A_253, %jit3A_250 : i32
        %rem3A_255 = arith.remsi %while3A_228, %select_n3A_254 : i32
        %ne3A_256 = arith.constant 0 : i32
        %ne3A_257 = arith.cmpi ne, %rem3A_255, %ne3A_256 : i32
        %lt3A_258 = arith.constant 0 : i32
        %lt3A_259 = arith.cmpi slt, %rem3A_255, %lt3A_258 : i32
        %lt3A_260 = arith.constant 0 : i32
        %lt3A_261 = arith.cmpi slt, %select_n3A_254, %lt3A_260 : i32
        %ne3A_262 = arith.xori %lt3A_259, %lt3A_261 : i1
        %and3A_263 = arith.andi %ne3A_262, %ne3A_257 : i1
        %add3A_264 = arith.addi %rem3A_255, %select_n3A_254 : i32
        %select_n3A_265 = arith.select %and3A_263, %add3A_264, %rem3A_255 : i32
        %eq3A_266 = arith.constant 1 : i32
        %eq3A_267 = arith.cmpi eq, %select_n3A_265, %eq3A_266 : i32
        %convert_element_type3A_268 = arith.extui %eq3A_267 : i1 to i32
        %cond3A_269 = arith.constant 0 : i32
        %cond3A_270 = arith.cmpi ne, %convert_element_type3A_268, %cond3A_269 : i32
        scf.if %cond3A_270 {
          %dma_wait3A = arith.constant 0 : i32
          %dma_wait3A_271 = arith.constant 0 : i32
          %dma_wait3A_272 = tpu.memref_slice %arg10[%dma_wait3A, %dma_wait3A_271] : memref<1x16xi32, #tpu.memory_space<vmem>> -> memref<1x16xi32, #tpu.memory_space<vmem>>
          %dma_wait3A_273 = tpu.memref_squeeze %dma_wait3A_272 : memref<1x16xi32, #tpu.memory_space<vmem>> -> memref<16xi32, #tpu.memory_space<vmem>>
          %dma_wait3A_274 = arith.constant 0 : i32
          %dma_wait3A_275 = arith.constant 0 : i32
          %dma_wait3A_276 = tpu.memref_slice %arg4[%dma_wait3A_274, %dma_wait3A_275] : memref<100000x128xf32, #tpu.memory_space<hbm>> -> memref<100000x128xf32, #tpu.memory_space<hbm>>
          tpu.wait_indirect_dma semaphore(%arg15 : memref<!tpu.dma_semaphore, #tpu.memory_space<semaphore_mem>>) src(%dma_wait3A_276 : memref<100000x128xf32, #tpu.memory_space<hbm>>) dst(%arg13 : memref<16x128xf32, #tpu.memory_space<vmem>>)
          %add3A_277 = arith.constant 1 : i32
          %add3A_278 = arith.addi %while3A_228, %add3A_277 : i32
          %lt3A_279 = arith.cmpi slt, %add3A_278, %select_n3A_50 : i32
          %convert_element_type3A_280 = arith.extui %lt3A_279 : i1 to i32
          %cond3A_281 = arith.constant 0 : i32
          %cond3A_282 = arith.cmpi ne, %convert_element_type3A_280, %cond3A_281 : i32
          scf.if %cond3A_282 {
            %add3A_297 = arith.constant 1 : i32
            %add3A_298 = arith.addi %while3A_228, %add3A_297 : i32
            %add3A_299 = arith.constant 1 : i32
            %add3A_300 = arith.addi %select_n3A, %add3A_299 : i32
            %mul3A_301 = arith.constant 16 : i32
            %mul3A_302 = arith.muli %add3A_298, %mul3A_301 : i32
            %add3A_303 = arith.addi %add3A_300, %mul3A_302 : i32
            %add3A_304 = arith.constant 0 : i32
            %add3A_305 = arith.addi %add3A_303, %add3A_304 : i32
            %iota3A_306 = tpu.iota {dimensions = array<i32: 0>} : vector<16xi32>
            %add3A_307 = vector.broadcast %add3A_305 : i32 to vector<16xi32>
            %add3A_308 = arith.addi %add3A_307, %iota3A_306 : vector<16xi32>
            %min3A_309 = vector.broadcast %squeeze3A_21 : i32 to vector<16xi32>
            %min3A_310 = arith.minsi %add3A_308, %min3A_309 : vector<16xi32>
            %broadcast_in_dim3A_311 = arith.constant 0 : i32
            %broadcast_in_dim3A_312 = vector.broadcast %broadcast_in_dim3A_311 : i32 to vector<16xi32>
            %add3A_313 = arith.constant 8 : i32
            %add3A_314 = vector.broadcast %add3A_313 : i32 to vector<16xi32>
            %add3A_315 = arith.addi %broadcast_in_dim3A_312, %add3A_314 : vector<16xi32>
            %broadcast_in_dim3A_316 = arith.constant 0 : i32
            %broadcast_in_dim3A_317 = vector.broadcast %broadcast_in_dim3A_316 : i32 to vector<16xi32>
            %add3A_318 = arith.constant 3143 : i32
            %add3A_319 = vector.broadcast %add3A_318 : i32 to vector<16xi32>
            %add3A_320 = arith.addi %broadcast_in_dim3A_317, %add3A_319 : vector<16xi32>
            %add3A_321 = arith.addi %add3A_315, %add3A_320 : vector<16xi32>
            %shift_right_arithmetic3A_322 = arith.constant 1 : i32
            %shift_right_arithmetic3A_323 = vector.broadcast %shift_right_arithmetic3A_322 : i32 to vector<16xi32>
            %shift_right_arithmetic3A_324 = arith.shrsi %add3A_321, %shift_right_arithmetic3A_323 : vector<16xi32>
            %gather3A_325 = tpu.vector_load_idx %arg6[%shift_right_arithmetic3A_324] : memref<3168xi32, #tpu.memory_space<vmem>>[vector<16xi32>], vector<16xi32>,
            %lt3A_326 = arith.cmpi slt, %gather3A_325, %min3A_310 : vector<16xi32>
            %add3A_327 = arith.constant 1 : i32
            %add3A_328 = vector.broadcast %add3A_327 : i32 to vector<16xi32>
            %add3A_329 = arith.addi %shift_right_arithmetic3A_324, %add3A_328 : vector<16xi32>
            %select_n3A_330 = arith.select %lt3A_326, %add3A_329, %add3A_315 : vector<16xi1>, vector<16xi32>
            %select_n3A_331 = arith.select %lt3A_326, %add3A_320, %shift_right_arithmetic3A_324 : vector<16xi1>, vector<16xi32>
            %add3A_332 = arith.addi %select_n3A_330, %select_n3A_331 : vector<16xi32>
            %shift_right_arithmetic3A_333 = arith.constant 1 : i32
            %shift_right_arithmetic3A_334 = vector.broadcast %shift_right_arithmetic3A_333 : i32 to vector<16xi32>
            %shift_right_arithmetic3A_335 = arith.shrsi %add3A_332, %shift_right_arithmetic3A_334 : vector<16xi32>
            %gather3A_336 = tpu.vector_load_idx %arg6[%shift_right_arithmetic3A_335] : memref<3168xi32, #tpu.memory_space<vmem>>[vector<16xi32>], vector<16xi32>,
            %lt3A_337 = arith.cmpi slt, %gather3A_336, %min3A_310 : vector<16xi32>
            %add3A_338 = arith.constant 1 : i32
            %add3A_339 = vector.broadcast %add3A_338 : i32 to vector<16xi32>
            %add3A_340 = arith.addi %shift_right_arithmetic3A_335, %add3A_339 : vector<16xi32>
            %select_n3A_341 = arith.select %lt3A_337, %add3A_340, %select_n3A_330 : vector<16xi1>, vector<16xi32>
            %select_n3A_342 = arith.select %lt3A_337, %select_n3A_331, %shift_right_arithmetic3A_335 : vector<16xi1>, vector<16xi32>
            %add3A_343 = arith.addi %select_n3A_341, %select_n3A_342 : vector<16xi32>
            %shift_right_arithmetic3A_344 = arith.constant 1 : i32
            %shift_right_arithmetic3A_345 = vector.broadcast %shift_right_arithmetic3A_344 : i32 to vector<16xi32>
            %shift_right_arithmetic3A_346 = arith.shrsi %add3A_343, %shift_right_arithmetic3A_345 : vector<16xi32>
            %gather3A_347 = tpu.vector_load_idx %arg6[%shift_right_arithmetic3A_346] : memref<3168xi32, #tpu.memory_space<vmem>>[vector<16xi32>], vector<16xi32>,
            %lt3A_348 = arith.cmpi slt, %gather3A_347, %min3A_310 : vector<16xi32>
            %add3A_349 = arith.constant 1 : i32
            %add3A_350 = vector.broadcast %add3A_349 : i32 to vector<16xi32>
            %add3A_351 = arith.addi %shift_right_arithmetic3A_346, %add3A_350 : vector<16xi32>
            %select_n3A_352 = arith.select %lt3A_348, %add3A_351, %select_n3A_341 : vector<16xi1>, vector<16xi32>
            %select_n3A_353 = arith.select %lt3A_348, %select_n3A_342, %shift_right_arithmetic3A_346 : vector<16xi1>, vector<16xi32>
            %add3A_354 = arith.addi %select_n3A_352, %select_n3A_353 : vector<16xi32>
            %shift_right_arithmetic3A_355 = arith.constant 1 : i32
            %shift_right_arithmetic3A_356 = vector.broadcast %shift_right_arithmetic3A_355 : i32 to vector<16xi32>
            %shift_right_arithmetic3A_357 = arith.shrsi %add3A_354, %shift_right_arithmetic3A_356 : vector<16xi32>
            %gather3A_358 = tpu.vector_load_idx %arg6[%shift_right_arithmetic3A_357] : memref<3168xi32, #tpu.memory_space<vmem>>[vector<16xi32>], vector<16xi32>,
            %lt3A_359 = arith.cmpi slt, %gather3A_358, %min3A_310 : vector<16xi32>
            %add3A_360 = arith.constant 1 : i32
            %add3A_361 = vector.broadcast %add3A_360 : i32 to vector<16xi32>
            %add3A_362 = arith.addi %shift_right_arithmetic3A_357, %add3A_361 : vector<16xi32>
            %select_n3A_363 = arith.select %lt3A_359, %add3A_362, %select_n3A_352 : vector<16xi1>, vector<16xi32>
            %select_n3A_364 = arith.select %lt3A_359, %select_n3A_353, %shift_right_arithmetic3A_357 : vector<16xi1>, vector<16xi32>
            %add3A_365 = arith.addi %select_n3A_363, %select_n3A_364 : vector<16xi32>
            %shift_right_arithmetic3A_366 = arith.constant 1 : i32
            %shift_right_arithmetic3A_367 = vector.broadcast %shift_right_arithmetic3A_366 : i32 to vector<16xi32>
            %shift_right_arithmetic3A_368 = arith.shrsi %add3A_365, %shift_right_arithmetic3A_367 : vector<16xi32>
            %gather3A_369 = tpu.vector_load_idx %arg6[%shift_right_arithmetic3A_368] : memref<3168xi32, #tpu.memory_space<vmem>>[vector<16xi32>], vector<16xi32>,
            %lt3A_370 = arith.cmpi slt, %gather3A_369, %min3A_310 : vector<16xi32>
            %add3A_371 = arith.constant 1 : i32
            %add3A_372 = vector.broadcast %add3A_371 : i32 to vector<16xi32>
            %add3A_373 = arith.addi %shift_right_arithmetic3A_368, %add3A_372 : vector<16xi32>
            %select_n3A_374 = arith.select %lt3A_370, %add3A_373, %select_n3A_363 : vector<16xi1>, vector<16xi32>
            %select_n3A_375 = arith.select %lt3A_370, %select_n3A_364, %shift_right_arithmetic3A_368 : vector<16xi1>, vector<16xi32>
            %add3A_376 = arith.addi %select_n3A_374, %select_n3A_375 : vector<16xi32>
            %shift_right_arithmetic3A_377 = arith.constant 1 : i32
            %shift_right_arithmetic3A_378 = vector.broadcast %shift_right_arithmetic3A_377 : i32 to vector<16xi32>
            %shift_right_arithmetic3A_379 = arith.shrsi %add3A_376, %shift_right_arithmetic3A_378 : vector<16xi32>
            %gather3A_380 = tpu.vector_load_idx %arg6[%shift_right_arithmetic3A_379] : memref<3168xi32, #tpu.memory_space<vmem>>[vector<16xi32>], vector<16xi32>,
            %lt3A_381 = arith.cmpi slt, %gather3A_380, %min3A_310 : vector<16xi32>
            %add3A_382 = arith.constant 1 : i32
            %add3A_383 = vector.broadcast %add3A_382 : i32 to vector<16xi32>
            %add3A_384 = arith.addi %shift_right_arithmetic3A_379, %add3A_383 : vector<16xi32>
            %select_n3A_385 = arith.select %lt3A_381, %add3A_384, %select_n3A_374 : vector<16xi1>, vector<16xi32>
            %select_n3A_386 = arith.select %lt3A_381, %select_n3A_375, %shift_right_arithmetic3A_379 : vector<16xi1>, vector<16xi32>
            %add3A_387 = arith.addi %select_n3A_385, %select_n3A_386 : vector<16xi32>
            %shift_right_arithmetic3A_388 = arith.constant 1 : i32
            %shift_right_arithmetic3A_389 = vector.broadcast %shift_right_arithmetic3A_388 : i32 to vector<16xi32>
            %shift_right_arithmetic3A_390 = arith.shrsi %add3A_387, %shift_right_arithmetic3A_389 : vector<16xi32>
            %gather3A_391 = tpu.vector_load_idx %arg6[%shift_right_arithmetic3A_390] : memref<3168xi32, #tpu.memory_space<vmem>>[vector<16xi32>], vector<16xi32>,
            %lt3A_392 = arith.cmpi slt, %gather3A_391, %min3A_310 : vector<16xi32>
            %add3A_393 = arith.constant 1 : i32
            %add3A_394 = vector.broadcast %add3A_393 : i32 to vector<16xi32>
            %add3A_395 = arith.addi %shift_right_arithmetic3A_390, %add3A_394 : vector<16xi32>
            %select_n3A_396 = arith.select %lt3A_392, %add3A_395, %select_n3A_385 : vector<16xi1>, vector<16xi32>
            %select_n3A_397 = arith.select %lt3A_392, %select_n3A_386, %shift_right_arithmetic3A_390 : vector<16xi1>, vector<16xi32>
            %add3A_398 = arith.addi %select_n3A_396, %select_n3A_397 : vector<16xi32>
            %shift_right_arithmetic3A_399 = arith.constant 1 : i32
            %shift_right_arithmetic3A_400 = vector.broadcast %shift_right_arithmetic3A_399 : i32 to vector<16xi32>
            %shift_right_arithmetic3A_401 = arith.shrsi %add3A_398, %shift_right_arithmetic3A_400 : vector<16xi32>
            %gather3A_402 = tpu.vector_load_idx %arg6[%shift_right_arithmetic3A_401] : memref<3168xi32, #tpu.memory_space<vmem>>[vector<16xi32>], vector<16xi32>,
            %lt3A_403 = arith.cmpi slt, %gather3A_402, %min3A_310 : vector<16xi32>
            %add3A_404 = arith.constant 1 : i32
            %add3A_405 = vector.broadcast %add3A_404 : i32 to vector<16xi32>
            %add3A_406 = arith.addi %shift_right_arithmetic3A_401, %add3A_405 : vector<16xi32>
            %select_n3A_407 = arith.select %lt3A_403, %add3A_406, %select_n3A_396 : vector<16xi1>, vector<16xi32>
            %select_n3A_408 = arith.select %lt3A_403, %select_n3A_397, %shift_right_arithmetic3A_401 : vector<16xi1>, vector<16xi32>
            %add3A_409 = arith.addi %select_n3A_407, %select_n3A_408 : vector<16xi32>
            %shift_right_arithmetic3A_410 = arith.constant 1 : i32
            %shift_right_arithmetic3A_411 = vector.broadcast %shift_right_arithmetic3A_410 : i32 to vector<16xi32>
            %shift_right_arithmetic3A_412 = arith.shrsi %add3A_409, %shift_right_arithmetic3A_411 : vector<16xi32>
            %gather3A_413 = tpu.vector_load_idx %arg6[%shift_right_arithmetic3A_412] : memref<3168xi32, #tpu.memory_space<vmem>>[vector<16xi32>], vector<16xi32>,
            %lt3A_414 = arith.cmpi slt, %gather3A_413, %min3A_310 : vector<16xi32>
            %add3A_415 = arith.constant 1 : i32
            %add3A_416 = vector.broadcast %add3A_415 : i32 to vector<16xi32>
            %add3A_417 = arith.addi %shift_right_arithmetic3A_412, %add3A_416 : vector<16xi32>
            %select_n3A_418 = arith.select %lt3A_414, %add3A_417, %select_n3A_407 : vector<16xi1>, vector<16xi32>
            %select_n3A_419 = arith.select %lt3A_414, %select_n3A_408, %shift_right_arithmetic3A_412 : vector<16xi1>, vector<16xi32>
            %add3A_420 = arith.addi %select_n3A_418, %select_n3A_419 : vector<16xi32>
            %shift_right_arithmetic3A_421 = arith.constant 1 : i32
            %shift_right_arithmetic3A_422 = vector.broadcast %shift_right_arithmetic3A_421 : i32 to vector<16xi32>
            %shift_right_arithmetic3A_423 = arith.shrsi %add3A_420, %shift_right_arithmetic3A_422 : vector<16xi32>
            %gather3A_424 = tpu.vector_load_idx %arg6[%shift_right_arithmetic3A_423] : memref<3168xi32, #tpu.memory_space<vmem>>[vector<16xi32>], vector<16xi32>,
            %lt3A_425 = arith.cmpi slt, %gather3A_424, %min3A_310 : vector<16xi32>
            %add3A_426 = arith.constant 1 : i32
            %add3A_427 = vector.broadcast %add3A_426 : i32 to vector<16xi32>
            %add3A_428 = arith.addi %shift_right_arithmetic3A_423, %add3A_427 : vector<16xi32>
            %select_n3A_429 = arith.select %lt3A_425, %add3A_428, %select_n3A_418 : vector<16xi1>, vector<16xi32>
            %select_n3A_430 = arith.select %lt3A_425, %select_n3A_419, %shift_right_arithmetic3A_423 : vector<16xi1>, vector<16xi32>
            %add3A_431 = arith.addi %select_n3A_429, %select_n3A_430 : vector<16xi32>
            %shift_right_arithmetic3A_432 = arith.constant 1 : i32
            %shift_right_arithmetic3A_433 = vector.broadcast %shift_right_arithmetic3A_432 : i32 to vector<16xi32>
            %shift_right_arithmetic3A_434 = arith.shrsi %add3A_431, %shift_right_arithmetic3A_433 : vector<16xi32>
            %gather3A_435 = tpu.vector_load_idx %arg6[%shift_right_arithmetic3A_434] : memref<3168xi32, #tpu.memory_space<vmem>>[vector<16xi32>], vector<16xi32>,
            %lt3A_436 = arith.cmpi slt, %gather3A_435, %min3A_310 : vector<16xi32>
            %add3A_437 = arith.constant 1 : i32
            %add3A_438 = vector.broadcast %add3A_437 : i32 to vector<16xi32>
            %add3A_439 = arith.addi %shift_right_arithmetic3A_434, %add3A_438 : vector<16xi32>
            %select_n3A_440 = arith.select %lt3A_436, %add3A_439, %select_n3A_429 : vector<16xi1>, vector<16xi32>
            %select_n3A_441 = arith.select %lt3A_436, %select_n3A_430, %shift_right_arithmetic3A_434 : vector<16xi1>, vector<16xi32>
            %add3A_442 = arith.addi %select_n3A_440, %select_n3A_441 : vector<16xi32>
            %shift_right_arithmetic3A_443 = arith.constant 1 : i32
            %shift_right_arithmetic3A_444 = vector.broadcast %shift_right_arithmetic3A_443 : i32 to vector<16xi32>
            %shift_right_arithmetic3A_445 = arith.shrsi %add3A_442, %shift_right_arithmetic3A_444 : vector<16xi32>
            %gather3A_446 = tpu.vector_load_idx %arg6[%shift_right_arithmetic3A_445] : memref<3168xi32, #tpu.memory_space<vmem>>[vector<16xi32>], vector<16xi32>,
            %lt3A_447 = arith.cmpi slt, %gather3A_446, %min3A_310 : vector<16xi32>
            %add3A_448 = arith.constant 1 : i32
            %add3A_449 = vector.broadcast %add3A_448 : i32 to vector<16xi32>
            %add3A_450 = arith.addi %shift_right_arithmetic3A_445, %add3A_449 : vector<16xi32>
            %select_n3A_451 = arith.select %lt3A_447, %add3A_450, %select_n3A_440 : vector<16xi1>, vector<16xi32>
            %select_n3A_452 = arith.select %lt3A_447, %select_n3A_441, %shift_right_arithmetic3A_445 : vector<16xi1>, vector<16xi32>
            %add3A_453 = vector.broadcast %mul3A_2 : i32 to vector<16xi32>
            %add3A_454 = arith.addi %add3A_453, %select_n3A_451 : vector<16xi32>
            %sub3A_455 = arith.constant 8 : i32
            %sub3A_456 = vector.broadcast %sub3A_455 : i32 to vector<16xi32>
            %sub3A_457 = arith.subi %add3A_454, %sub3A_456 : vector<16xi32>
            %gather3A_458 = tpu.vector_load_idx %arg7[%min3A_310] : memref<4096xi32, #tpu.memory_space<vmem>>[vector<16xi32>], vector<16xi32>,
            %add3A_459 = arith.addi %sub3A_457, %gather3A_458 : vector<16xi32>
            %swap3A_460 = arith.constant 0 : i32
            %swap3A_461 = arith.index_cast %swap3A_460 : i32 to index
            %swap3A_462 = arith.constant 0 : index
            %swap3A_463 = tpu.vector_load %arg8[%swap3A_461, %swap3A_462] {strides = array<i32>} : memref<1x16xi32, #tpu.memory_space<vmem>>, vector<16xi32>,
            tpu.vector_store %arg8[%swap3A_461, %swap3A_462], %add3A_459 {strides = array<i32>} : memref<1x16xi32, #tpu.memory_space<vmem>>, vector<16xi32>,
            %swap3A_464 = arith.constant 0 : i32
            %swap3A_465 = arith.index_cast %swap3A_464 : i32 to index
            %swap3A_466 = arith.constant 0 : index
            %swap3A_467 = tpu.vector_load %arg9[%swap3A_465, %swap3A_466] {strides = array<i32>} : memref<1x16xi32, #tpu.memory_space<vmem>>, vector<16xi32>,
            tpu.vector_store %arg9[%swap3A_465, %swap3A_466], %min3A_310 {strides = array<i32>} : memref<1x16xi32, #tpu.memory_space<vmem>>, vector<16xi32>,
            %dma_start3A_468 = arith.constant 0 : i32
            %dma_start3A_469 = arith.constant 0 : i32
            %dma_start3A_470 = tpu.memref_slice %arg8[%dma_start3A_468, %dma_start3A_469] : memref<1x16xi32, #tpu.memory_space<vmem>> -> memref<1x16xi32, #tpu.memory_space<vmem>>
            %dma_start3A_471 = tpu.memref_squeeze %dma_start3A_470 : memref<1x16xi32, #tpu.memory_space<vmem>> -> memref<16xi32, #tpu.memory_space<vmem>>
            %dma_start3A_472 = arith.constant 0 : i32
            %dma_start3A_473 = arith.constant 0 : i32
            %dma_start3A_474 = tpu.memref_slice %arg4[%dma_start3A_472, %dma_start3A_473] : memref<100000x128xf32, #tpu.memory_space<hbm>> -> memref<100000x128xf32, #tpu.memory_space<hbm>>
            tpu.enqueue_indirect_dma source(%dma_start3A_474 : memref<100000x128xf32, #tpu.memory_space<hbm>>) target(%arg12 : memref<16x128xf32, #tpu.memory_space<vmem>>) offsets(%dma_start3A_471 : memref<16xi32, #tpu.memory_space<vmem>>) semaphore(%arg15 : memref<!tpu.dma_semaphore, #tpu.memory_space<semaphore_mem>>)
          } else {
          }
          %dma_start3A_283 = arith.constant 0 : i32
          %dma_start3A_284 = arith.constant 0 : i32
          %dma_start3A_285 = tpu.memref_slice %arg11[%dma_start3A_283, %dma_start3A_284] : memref<1x16xi32, #tpu.memory_space<vmem>> -> memref<1x16xi32, #tpu.memory_space<vmem>>
          %dma_start3A_286 = tpu.memref_squeeze %dma_start3A_285 : memref<1x16xi32, #tpu.memory_space<vmem>> -> memref<16xi32, #tpu.memory_space<vmem>>
          %dma_start3A_287 = arith.constant 0 : i32
          %dma_start3A_288 = arith.constant 0 : i32
          %dma_start3A_289 = tpu.memref_slice %arg5[%dma_start3A_287, %dma_start3A_288] : memref<4096x128xf32, #tpu.memory_space<hbm>> -> memref<4096x128xf32, #tpu.memory_space<hbm>>
          tpu.enqueue_indirect_dma source(%arg13 : memref<16x128xf32, #tpu.memory_space<vmem>>) target(%dma_start3A_289 : memref<4096x128xf32, #tpu.memory_space<hbm>>) offsets(%dma_start3A_286 : memref<16xi32, #tpu.memory_space<vmem>>) semaphore(%arg16 : memref<!tpu.dma_semaphore, #tpu.memory_space<semaphore_mem>>)
          %dma_wait3A_290 = arith.constant 0 : i32
          %dma_wait3A_291 = arith.constant 0 : i32
          %dma_wait3A_292 = tpu.memref_slice %arg11[%dma_wait3A_290, %dma_wait3A_291] : memref<1x16xi32, #tpu.memory_space<vmem>> -> memref<1x16xi32, #tpu.memory_space<vmem>>
          %dma_wait3A_293 = tpu.memref_squeeze %dma_wait3A_292 : memref<1x16xi32, #tpu.memory_space<vmem>> -> memref<16xi32, #tpu.memory_space<vmem>>
          %dma_wait3A_294 = arith.constant 0 : i32
          %dma_wait3A_295 = arith.constant 0 : i32
          %dma_wait3A_296 = tpu.memref_slice %arg5[%dma_wait3A_294, %dma_wait3A_295] : memref<4096x128xf32, #tpu.memory_space<hbm>> -> memref<4096x128xf32, #tpu.memory_space<hbm>>
          tpu.wait_indirect_dma semaphore(%arg16 : memref<!tpu.dma_semaphore, #tpu.memory_space<semaphore_mem>>) src(%arg13 : memref<16x128xf32, #tpu.memory_space<vmem>>) dst(%dma_wait3A_296 : memref<4096x128xf32, #tpu.memory_space<hbm>>)
        } else {
        }
      }
    } else {
    }
    return
  }
}

module attributes {stable_mosaic.version = 14 : i64} {
  func.func @_tc_route_body(%arg0: i32, %arg1: memref<1024x128xf32, #tpu.memory_space<vmem>>, %arg2: memref<64x128xf32, #tpu.memory_space<vmem>>, %arg3: memref<4096x128xf32, #tpu.memory_space<vmem>>, %arg4: memref<1024x64xf32, #tpu.memory_space<vmem>>) attributes {dimension_semantics = [#tpu.dimension_semantics<arbitrary>], iteration_bounds = array<i64: 4>, scalar_prefetch = 0 : i64, scratch_operands = 0 : i64, tpu.core_type = #tpu.core_type<tc>, window_params = [{transform_indices = @transform_0, window_bounds = array<i64: 1024, 128>}, {pipeline_mode = #tpu.pipeline_mode<synchronous>, transform_indices = @transform_1, window_bounds = array<i64: 64, 128>}, {pipeline_mode = #tpu.pipeline_mode<synchronous>, transform_indices = @transform_2, window_bounds = array<i64: 4096, 128>}, {transform_indices = @transform_3, window_bounds = array<i64: 1024, 64>}]} {
    %get3A = arith.constant 0 : index
    %get3A_0 = arith.constant 0 : index
    %get3A_1 = vector.load %arg1[%get3A, %get3A_0] : memref<1024x128xf32, #tpu.memory_space<vmem>>, vector<1024x128xf32>
    %get3A_2 = arith.constant 0 : index
    %get3A_3 = arith.constant 0 : index
    %get3A_4 = vector.load %arg2[%get3A_2, %get3A_3] : memref<64x128xf32, #tpu.memory_space<vmem>>, vector<64x128xf32>
    %dot_general3A = arith.constant dense<0.000000e+00> : vector<1024x64xf32>
    %dot_general3A_5 = tpu.matmul %get3A_1, %get3A_4, %dot_general3A {dimension_numbers = #tpu.dot_dimension_numbers<[1], [1], [0], [0], [0, 0, 1, 0], [], []>, transpose_lhs_hint = false} : vector<1024x128xf32>, vector<64x128xf32>, vector<1024x64xf32> -> vector<1024x64xf32>
    %reduce_max3A = arith.constant dense<0xFF800000> : vector<1024xf32>
    %reduce_max3A_6 = vector.multi_reduction <maximumf>, %dot_general3A_5, %reduce_max3A [1] : vector<1024x64xf32> to vector<1024xf32>
    %broadcast_in_dim3A = vector.shape_cast %reduce_max3A_6 : vector<1024xf32> to vector<1024x1xf32>
    %iota3A = tpu.iota {dimensions = array<i32: 1>} : vector<1024x64xi32>
    %eq3A = vector.broadcast %broadcast_in_dim3A : vector<1024x1xf32> to vector<1024x64xf32>
    %eq3A_7 = arith.cmpf oeq, %dot_general3A_5, %eq3A : vector<1024x64xf32>
    %jit3A = arith.constant 64 : i32
    %broadcast_in_dim3A_8 = vector.broadcast %jit3A : i32 to vector<1024x64xi32>
    %select_n3A = arith.select %eq3A_7, %iota3A, %broadcast_in_dim3A_8 : vector<1024x64xi1>, vector<1024x64xi32>
    %reduce_min3A = arith.constant dense<2147483647> : vector<1024xi32>
    %reduce_min3A_9 = vector.multi_reduction <minsi>, %select_n3A, %reduce_min3A [1] : vector<1024x64xi32> to vector<1024xi32>
    %broadcast_in_dim3A_10 = vector.shape_cast %reduce_min3A_9 : vector<1024xi32> to vector<1024x1xi32>
    %get3A_11 = arith.constant 0 : index
    %get3A_12 = arith.constant 0 : index
    %get3A_13 = vector.load %arg3[%get3A_11, %get3A_12] : memref<4096x128xf32, #tpu.memory_space<vmem>>, vector<4096x128xf32>
    %dot_general3A_14 = arith.constant dense<0.000000e+00> : vector<1024x4096xf32>
    %dot_general3A_15 = tpu.matmul %get3A_1, %get3A_13, %dot_general3A_14 {dimension_numbers = #tpu.dot_dimension_numbers<[1], [1], [0], [0], [0, 0, 1, 0], [], []>, transpose_lhs_hint = false} : vector<1024x128xf32>, vector<4096x128xf32>, vector<1024x4096xf32> -> vector<1024x4096xf32>
    %iota3A_16 = tpu.iota {dimensions = array<i32: 1>} : vector<1024x4096xi32>
    %jit3A_17 = arith.constant 64 : i32
    %div3A = vector.broadcast %jit3A_17 : i32 to vector<1024x4096xi32>
    %div3A_18 = arith.divsi %iota3A_16, %div3A : vector<1024x4096xi32>
    %sign3A = arith.constant 0 : i32
    %sign3A_19 = vector.broadcast %sign3A : i32 to vector<1024x4096xi32>
    %sign3A_20 = arith.cmpi sgt, %iota3A_16, %sign3A_19 : vector<1024x4096xi32>
    %sign3A_21 = arith.extui %sign3A_20 : vector<1024x4096xi1> to vector<1024x4096xi32>
    %sign3A_22 = arith.constant 0 : i32
    %sign3A_23 = vector.broadcast %sign3A_22 : i32 to vector<1024x4096xi32>
    %sign3A_24 = arith.cmpi slt, %iota3A_16, %sign3A_23 : vector<1024x4096xi32>
    %sign3A_25 = arith.extui %sign3A_24 : vector<1024x4096xi1> to vector<1024x4096xi32>
    %sign3A_26 = arith.subi %sign3A_21, %sign3A_25 : vector<1024x4096xi32>
    %sign3A_27 = arith.constant 0 : i32
    %sign3A_28 = arith.cmpi sgt, %jit3A_17, %sign3A_27 : i32
    %sign3A_29 = arith.extui %sign3A_28 : i1 to i32
    %sign3A_30 = arith.constant 0 : i32
    %sign3A_31 = arith.cmpi slt, %jit3A_17, %sign3A_30 : i32
    %sign3A_32 = arith.extui %sign3A_31 : i1 to i32
    %sign3A_33 = arith.subi %sign3A_29, %sign3A_32 : i32
    %ne3A = vector.broadcast %sign3A_33 : i32 to vector<1024x4096xi32>
    %ne3A_34 = arith.cmpi ne, %sign3A_26, %ne3A : vector<1024x4096xi32>
    %rem3A = vector.broadcast %jit3A_17 : i32 to vector<1024x4096xi32>
    %rem3A_35 = arith.remsi %iota3A_16, %rem3A : vector<1024x4096xi32>
    %ne3A_36 = arith.constant 0 : i32
    %ne3A_37 = vector.broadcast %ne3A_36 : i32 to vector<1024x4096xi32>
    %ne3A_38 = arith.cmpi ne, %rem3A_35, %ne3A_37 : vector<1024x4096xi32>
    %and3A = arith.andi %ne3A_34, %ne3A_38 : vector<1024x4096xi1>
    %sub3A = arith.constant 1 : i32
    %sub3A_39 = vector.broadcast %sub3A : i32 to vector<1024x4096xi32>
    %sub3A_40 = arith.subi %div3A_18, %sub3A_39 : vector<1024x4096xi32>
    %select_n3A_41 = arith.select %and3A, %sub3A_40, %div3A_18 : vector<1024x4096xi1>, vector<1024x4096xi32>
    %eq3A_42 = vector.broadcast %broadcast_in_dim3A_10 : vector<1024x1xi32> to vector<1024x4096xi32>
    %eq3A_43 = arith.cmpi eq, %select_n3A_41, %eq3A_42 : vector<1024x4096xi32>
    %jit3A_44 = arith.constant 0.000000e+00 : f32
    %broadcast_in_dim3A_45 = vector.broadcast %jit3A_44 : f32 to vector<1024x4096xf32>
    %select_n3A_46 = arith.select %eq3A_43, %dot_general3A_15, %broadcast_in_dim3A_45 : vector<1024x4096xi1>, vector<1024x4096xf32>
    %slice3A = vector.extract_strided_slice %select_n3A_46 {offsets = [0, 0], sizes = [1024, 512], strides = [1, 1]} : vector<1024x4096xf32> to vector<1024x512xf32>
    %slice3A_47 = vector.extract_strided_slice %select_n3A_46 {offsets = [0, 512], sizes = [1024, 512], strides = [1, 1]} : vector<1024x4096xf32> to vector<1024x512xf32>
    %add3A = arith.addf %slice3A, %slice3A_47 : vector<1024x512xf32>
    %slice3A_48 = vector.extract_strided_slice %select_n3A_46 {offsets = [0, 1024], sizes = [1024, 512], strides = [1, 1]} : vector<1024x4096xf32> to vector<1024x512xf32>
    %add3A_49 = arith.addf %add3A, %slice3A_48 : vector<1024x512xf32>
    %slice3A_50 = vector.extract_strided_slice %select_n3A_46 {offsets = [0, 1536], sizes = [1024, 512], strides = [1, 1]} : vector<1024x4096xf32> to vector<1024x512xf32>
    %add3A_51 = arith.addf %add3A_49, %slice3A_50 : vector<1024x512xf32>
    %slice3A_52 = vector.extract_strided_slice %select_n3A_46 {offsets = [0, 2048], sizes = [1024, 512], strides = [1, 1]} : vector<1024x4096xf32> to vector<1024x512xf32>
    %add3A_53 = arith.addf %add3A_51, %slice3A_52 : vector<1024x512xf32>
    %slice3A_54 = vector.extract_strided_slice %select_n3A_46 {offsets = [0, 2560], sizes = [1024, 512], strides = [1, 1]} : vector<1024x4096xf32> to vector<1024x512xf32>
    %add3A_55 = arith.addf %add3A_53, %slice3A_54 : vector<1024x512xf32>
    %slice3A_56 = vector.extract_strided_slice %select_n3A_46 {offsets = [0, 3072], sizes = [1024, 512], strides = [1, 1]} : vector<1024x4096xf32> to vector<1024x512xf32>
    %add3A_57 = arith.addf %add3A_55, %slice3A_56 : vector<1024x512xf32>
    %slice3A_58 = vector.extract_strided_slice %select_n3A_46 {offsets = [0, 3584], sizes = [1024, 512], strides = [1, 1]} : vector<1024x4096xf32> to vector<1024x512xf32>
    %add3A_59 = arith.addf %add3A_57, %slice3A_58 : vector<1024x512xf32>
    %slice3A_60 = vector.extract_strided_slice %add3A_59 {offsets = [0, 0], sizes = [1024, 64], strides = [1, 1]} : vector<1024x512xf32> to vector<1024x64xf32>
    %slice3A_61 = vector.extract_strided_slice %add3A_59 {offsets = [0, 64], sizes = [1024, 64], strides = [1, 1]} : vector<1024x512xf32> to vector<1024x64xf32>
    %add3A_62 = arith.addf %slice3A_60, %slice3A_61 : vector<1024x64xf32>
    %slice3A_63 = vector.extract_strided_slice %add3A_59 {offsets = [0, 128], sizes = [1024, 64], strides = [1, 1]} : vector<1024x512xf32> to vector<1024x64xf32>
    %add3A_64 = arith.addf %add3A_62, %slice3A_63 : vector<1024x64xf32>
    %slice3A_65 = vector.extract_strided_slice %add3A_59 {offsets = [0, 192], sizes = [1024, 64], strides = [1, 1]} : vector<1024x512xf32> to vector<1024x64xf32>
    %add3A_66 = arith.addf %add3A_64, %slice3A_65 : vector<1024x64xf32>
    %slice3A_67 = vector.extract_strided_slice %add3A_59 {offsets = [0, 256], sizes = [1024, 64], strides = [1, 1]} : vector<1024x512xf32> to vector<1024x64xf32>
    %add3A_68 = arith.addf %add3A_66, %slice3A_67 : vector<1024x64xf32>
    %slice3A_69 = vector.extract_strided_slice %add3A_59 {offsets = [0, 320], sizes = [1024, 64], strides = [1, 1]} : vector<1024x512xf32> to vector<1024x64xf32>
    %add3A_70 = arith.addf %add3A_68, %slice3A_69 : vector<1024x64xf32>
    %slice3A_71 = vector.extract_strided_slice %add3A_59 {offsets = [0, 384], sizes = [1024, 64], strides = [1, 1]} : vector<1024x512xf32> to vector<1024x64xf32>
    %add3A_72 = arith.addf %add3A_70, %slice3A_71 : vector<1024x64xf32>
    %slice3A_73 = vector.extract_strided_slice %add3A_59 {offsets = [0, 448], sizes = [1024, 64], strides = [1, 1]} : vector<1024x512xf32> to vector<1024x64xf32>
    %add3A_74 = arith.addf %add3A_72, %slice3A_73 : vector<1024x64xf32>
    %swap3A = arith.constant 0 : index
    %swap3A_75 = arith.constant 0 : index
    %swap3A_76 = vector.load %arg4[%swap3A, %swap3A_75] : memref<1024x64xf32, #tpu.memory_space<vmem>>, vector<1024x64xf32>
    tpu.vector_store %arg4[%swap3A, %swap3A_75], %add3A_74 {strides = array<i32>} : memref<1024x64xf32, #tpu.memory_space<vmem>>, vector<1024x64xf32>,
    return
  }
  func.func @transform_0(%arg0: i32) -> (i32, i32) {
    %c0_i32 = arith.constant 0 : i32
    %c0_i32_0 = arith.constant 0 : i32
    return %arg0, %c0_i32 : i32, i32
  }
  func.func @transform_1(%arg0: i32) -> (i32, i32) {
    %c0_i32 = arith.constant 0 : i32
    %c0_i32_0 = arith.constant 0 : i32
    %c0_i32_1 = arith.constant 0 : i32
    return %c0_i32, %c0_i32_0 : i32, i32
  }
  func.func @transform_2(%arg0: i32) -> (i32, i32) {
    %c0_i32 = arith.constant 0 : i32
    %c0_i32_0 = arith.constant 0 : i32
    %c0_i32_1 = arith.constant 0 : i32
    return %c0_i32, %c0_i32_0 : i32, i32
  }
  func.func @transform_3(%arg0: i32) -> (i32, i32) {
    %c0_i32 = arith.constant 0 : i32
    %c0_i32_0 = arith.constant 0 : i32
    return %arg0, %c0_i32 : i32, i32
  }
}

</mosaic_0001>

<sc_bundles>
// kernel: kernel.4.cloned.1.call-start
scs
__scs_entry_jumppad:
0x0: {  	(pc) =	sbr.rel $0x88, $3  }
0x1: {  	(tag) =	ssettag $0x0;
	lr =	simm.s32 $0x1  }
0x2: {  	[smem:$0x3F9C] =	sst lr;
	_ =	strace $0xD0000000  }
0x3: {  	_ = 	snop  }
0x4: {  	_ = 	snop  }
0x5: {  	_ = 	snop  }
0x6: {  	_ = 	snop  }
0x7: {  	_ = 	snop  }
__scs_overlays_trampoline_lowered:
0x8: {  	[smem:$0x3FAB] =	sst s0  }
0x9: {  	[smem:$0x3FAC] =	sst s1  }
0xa: {  	[smem:$0x3FAD] =	sst s2  }
0xb: {  	[smem:$0x3FAE] =	sst s3  }
0xc: {  	[smem:$0x3FAF] =	sst s4  }
0xd: {  	[smem:$0x3FB0] =	sst s5  }
0xe: {  	[smem:$0x3FB1] =	sst s6  }
0xf: {  	[smem:$0x3FB2] =	sst s7  }
0x10: {  	[smem:$0x3FB3] =	sst s8  }
0x11: {  	[smem:$0x3FB4] =	sst s9;
	s0 =	simm.s32 @!p0 $0x0  }
0x12: {  	s1 =	sld [smem:$0x3F9A];
	s0 =	simm.s32 @p0 $0x1  }
0x13: {  	[smem:$0x3FB5] =	sst s0;
	s0 =	simm.s32 @!p1 $0x0  }
0x14: {  	s2 =	sld [smem:$0x3F99];
	s0 =	simm.s32 @p1 $0x1  }
0x15: {  	[smem:$0x3FB6] =	sst s0;
	s0 =	simm.s32 @!p2 $0x0  }
0x16: {  	s3 =	sld [smem:$0x3FDB];
	s0 =	simm.s32 @p2 $0x1  }
0x17: {  	s4 =	simm.s32 $0x1BF5;
	[smem:$0x3FB8] =	sst s0  }
0x18: {  	s0 =	sld [smem:$0x3F9B];
	_ =	swait.ge [sflag:s4], $0x0  }
0x19: {  	s7 =	sld [smem:$0x3F9C]  }
0x1a: {  	s8 =	sadd.s32 $0xFFFFE003, lr  }
0x1b: {  	s9 =	sadd.s32 $0xFFFFFEF7, lr;
	s5 =	simm.s32 $0xFFFFFFFF;
	p2 =	slt.u32 s8, $0xFFFFF086  }
0x1c: {  	p1 =	slt.u32 s9, $0xF7A;
	s5 =	simm.s32 @!p2 $0x0  }
0x1d: {  	s5 =	simm.s32 @p1 $0x1;
	p0 =	seq.s32 s7, s2  }
0x1e: {  	s7 =	smul.u32 @!p0 $0xF7A, s2;
	p2 =	seq.s32 @!p0 s5, $0x0  }
0x1f: {  	s9 =	smul.u32 $0xF7A, s1;
	s8 =	simm.s32 @!p0 $0x1BF5;
	p2 =	por !p2, p0  }
0x20: {  	[sflag:s8] =	ssyncset.s32 @!p0 $0xFFFFF086;
	s6 =	sadd.s32 @!p0 s3, s7;
	s7 =	simm.s32 @!p0 $0x108  }
0x21: {  	s3 =	sadd.s32 s3, s9;
	s6 =	sadd.s32 @!p0 $0x88, s6;
	s7 =	simm.s32 @p2 $0x1082  }
0x22: {  	[simem:s7], [sflag:s8] =	dma.local @!p0 [hbm:s6], $0xF7A  }
0x23: {  	s9 =	sor.u32 $0xD0000000, s2;
	s6 =	simm.s32 $0x108;
	_ =	swait.ge @!p0 [sflag:s8], $0x0  }
0x24: {  	s3 =	sadd.s32 $0x88, s3;
	s6 =	simm.s32 @!p1 $0x1082;
	[sflag:s4] =	ssyncset.s32 $0xFFFFF086  }
0x25: {  	[simem:s6], [sflag:s4] =	dma.local [hbm:s3], $0xF7A  }
0x26: {  	[smem:$0x3F9C] =	sst s1;
	(tag) =	ssettag s2;
	_ =	strace s9  }
0x27: {  	s1 =	sld [smem:$0x3FAC]  }
0x28: {  	s2 =	sld [smem:$0x3FAD]  }
0x29: {  	s4 =	sld [smem:$0x3FAF]  }
0x2a: {  	p0 =	seq.s32 s5, $0x0;
	s5 =	sld [smem:$0x3FB0]  }
0x2b: {  	s6 =	sld [smem:$0x3FB1]  }
0x2c: {  	s7 =	sld [smem:$0x3FB2]  }
0x2d: {  	s3 =	simm.s32 $0x108;
	s8 =	sld [smem:$0x3FB3]  }
0x2e: {  	s3 =	simm.s32 @!p0 $0x1082;
	s9 =	sld [smem:$0x3FB4]  }
0x2f: {  	lr =	sadd.s32 s0, s3;
	s0 =	sld [smem:$0x3FAB]  }
0x30: {  	s3 =	sld [smem:$0x3FAE]  }
0x31: {  	[smem:$0x3FB7] =	sst s10  }
0x32: {  	s10 =	sld [smem:$0x3FB5];
	_ =	sdelay $0x3  }
0x33: {  	p0 =	seq.s32 s10, $0x1;
	s10 =	sld [smem:$0x3FB7];
	_ =	sdelay $0x3  }
0x34: {  	[smem:$0x3FB7] =	sst s10  }
0x35: {  	s10 =	sld [smem:$0x3FB6];
	_ =	sdelay $0x3  }
0x36: {  	p1 =	seq.s32 s10, $0x1;
	s10 =	sld [smem:$0x3FB7];
	_ =	sdelay $0x3  }
0x37: {  	[smem:$0x3FB7] =	sst s10  }
0x38: {  	s10 =	sld [smem:$0x3FB8]  }
0x39: {  	_ = 	snop;
	(pc) =	sbr.ind lr, $3  }
0x3a: {  	_ = 	snop  }
0x3b: {  	_ = 	snop  }
0x3c: {  	p2 =	seq.s32 s10, $0x1;
	s10 =	sld [smem:$0x3FB7]  }
0x3d: {  	_ =	shalt  }
0x3e: {  	_ =	shalt  }
0x3f: {  	_ =	shalt  }
0x40: {  	_ =	shalt  }
0x41: {  	_ =	shalt  }
0x42: {  	_ =	shalt  }
0x43: {  	_ =	shalt  }
0x44: {  	_ =	shalt  }
0x45: {  	_ =	shalt  }
0x46: {  	_ =	shalt  }
0x47: {  	_ =	shalt  }
0x48: {  	_ =	shalt  }
0x49: {  	_ =	shalt  }
0x4a: {  	_ =	shalt  }
0x4b: {  	_ =	shalt  }
0x4c: {  	_ =	shalt  }
0x4d: {  	_ =	shalt  }
0x4e: {  	_ =	shalt  }
0x4f: {  	_ =	shalt  }
0x50: {  	_ =	shalt  }
0x51: {  	_ =	shalt  }
0x52: {  	_ =	shalt  }
0x53: {  	_ =	shalt  }
0x54: {  	_ =	shalt  }
0x55: {  	_ =	shalt  }
0x56: {  	_ =	shalt  }
0x57: {  	_ =	shalt  }
0x58: {  	_ =	shalt  }
0x59: {  	_ =	shalt  }
0x5a: {  	_ =	shalt  }
0x5b: {  	_ =	shalt  }
0x5c: {  	_ =	shalt  }
0x5d: {  	_ =	shalt  }
0x5e: {  	_ =	shalt  }
0x5f: {  	_ =	shalt  }
0x60: {  	_ =	shalt  }
0x61: {  	_ =	shalt  }
0x62: {  	_ =	shalt  }
0x63: {  	_ =	shalt  }
0x64: {  	_ =	shalt  }
0x65: {  	_ =	shalt  }
0x66: {  	_ =	shalt  }
0x67: {  	_ =	shalt  }
0x68: {  	_ =	shalt  }
0x69: {  	_ =	shalt  }
0x6a: {  	_ =	shalt  }
0x6b: {  	_ =	shalt  }
0x6c: {  	_ =	shalt  }
0x6d: {  	_ =	shalt  }
0x6e: {  	_ =	shalt  }
0x6f: {  	_ =	shalt  }
0x70: {  	_ =	shalt  }
0x71: {  	_ =	shalt  }
0x72: {  	_ =	shalt  }
0x73: {  	_ =	shalt  }
0x74: {  	_ =	shalt  }
0x75: {  	_ =	shalt  }
0x76: {  	_ =	shalt  }
0x77: {  	_ =	shalt  }
0x78: {  	_ =	shalt  }
0x79: {  	_ =	shalt  }
0x7a: {  	_ =	shalt  }
0x7b: {  	_ =	shalt  }
0x7c: {  	_ =	shalt  }
0x7d: {  	_ =	shalt  }
0x7e: {  	_ =	shalt  }
0x7f: {  	_ =	shalt  }
0x80: {  	_ =	shalt  }
0x81: {  	_ =	shalt  }
0x82: {  	_ =	shalt  }
0x83: {  	_ =	shalt  }
0x84: {  	_ =	shalt  }
0x85: {  	_ =	shalt  }
0x86: {  	_ =	shalt  }
0x87: {  	_ =	shalt  }
.Lfunc_end0:
.L_simem_size_0:
called_computation_lowered:
.L_overlay_start_0:
0x88: {  	s2 =	sld [smem:$0x3FD9]  }
0x89: {  	s3 =	sld [smem:$0x3FFE];
	_ =	sdelay $0x1  }
0x8a: {  	s1 =	srdreg.scid  }
0x8b: {  	s0 =	sand.u32 $0x1, s1  }
0x8c: {  	s17 =	sshll.u32 s0, $0xA;
	s2 =	sadd.s32 s3, s2  }
0x8d: {  	s2 =	sadd.s32 s2, s17  }
0x8e: {  	[smem:$0x3FC3] =	sst s2  }
0x8f: {  	_ = 	snop  }
0x90: {  	s2 =	sld [smem:$0x3FC9]  }
0x91: {  	s18 =	sld [smem:$0x3FC8]  }
0x92: {  	s4 =	sld [smem:$0x3FC7];
	(tm) =	ssettm $0x1  }
0x93: {  	s5 =	sld [smem:$0x3FFB];
	_ =	sdelay $0x3  }
0x94: {  	_ =	strace s5  }
0x95: {  	s5 =	sld [smem:$0x3FFC];
	_ =	sdelay $0x3  }
0x96: {  	_ =	strace s5  }
0x97: {  	s5 =	sld [smem:$0x3FFD];
	_ =	sdelay $0x3  }
0x98: {  	_ =	strace s5  }
0x99: {  	_ =	strace $0x8FFFFFFF  }
0x9a: {  	s19 =	sld [smem:$0x3FDB];
	_ =	sdelay $0x1  }
0x9b: {  	s6 =	simm.s32 $_scs_section_size  }
0x9c: {  	s7 =	simm.s32 $_size__tile_overlayer_lowered;
	s8 =	simm.s32 $_tile_overlayer_lowered  }
0x9d: {  	s22 =	simm.s32 $0x1BFF;
	s21 =	sshll.u32 s8, $0x1;
	s5 =	sadd.s32 s6, s19  }
0x9e: {  	s9 =	simm.s32 $0x0;
	s20 =	sshll.u32 s7, $0x1;
	s7 =	sadd.s32 s21, s5  }
0x9f: {  	[timem:s9], [sflag:s22] =	dma.local [hbm:s7], s20  }
0xa0: {  	_ =	swait.ge [sflag:s22], s20  }
0xa1: {  	s6 =	ssub.s32 $0x0, s20;
	[sflag:s22] =	ssyncset.done $0x0  }
0xa2: {  	[sflag:s22] =	ssyncadd.s32 s6;
	_ =	sdelay $0x1  }
0xa3: {  	s23 =	simm.s32 $0x1B8B  }
0xa4: {  	_ =	swait.ge [sflag:s23], $0x1  }
0xa5: {  	[sflag:s23] =	ssyncset.done $0x0  }
0xa6: {  	s25 =	simm.s32 $0x1B8E;
	s24 =	sld [smem:$0x3FFE];
	[sflag:s23] =	ssyncadd.s32 $0xFFFFFFFF  }
0xa7: {  	s26 =	simm.s32 $execute0_lowered;
	[smem:$0x3FD2] =	sst s25  }
0xa8: {  	s7 =	sshll.u32 s26, $0x1;
	_ =	strace $0x80000046;
	[dreg:$0x1] =	wrdreg $0xFFFFFFFF  }
0xa9: {  	s28 =	simm.s32 $_size_execute0_lowered;
	s5 =	sadd.s32 s5, s7;
	[dreg:$0x0] =	wrdreg $0x0  }
0xaa: {  	s7 =	sshll.u32 s28, $0x1;
	[dreg:$0x2] =	wrdreg s5  }
0xab: {  	[dreg:$0x3] =	wrdreg s7  }
0xac: {  	[dreg:$0x4] =	wrdreg $0xC0  }
0xad: {  	_ =	task [dreg:s9], $0x5FFFF  }
0xae: {  	[dreg:$0x1] =	wrdreg $0xFFFFFFFF  }
0xaf: {  	[dreg:$0x0] =	wrdreg $0x60  }
0xb0: {  	[dreg:$0x2] =	wrdreg s18  }
0xb1: {  	[dreg:$0x3] =	wrdreg s4  }
0xb2: {  	[dreg:$0x4] =	wrdreg s2  }
0xb3: {  	[dreg:$0x5] =	wrdreg s24  }
0xb4: {  	[dreg:$0x6] =	wrdreg $0x9  }
0xb5: {  	_ =	task.clear_ibuf [dreg:s9], $0x7FFFF;
	_ =	strace $0x90000046  }
0xb6: {  	s29 =	simm.s32 $0x9;
	_ =	strace $0x80000048  }
0xb7: {  	_ =	swait.ge [sflag:s29], $0x1  }
0xb8: {  	[sflag:s29] =	ssyncadd.s32 $0xFFFFFFFF  }
0xb9: {  	_ =	strace $0x90000048  }
0xba: {  	_ =	sfence  }
0xbb: {  	s30 =	sld [smem:$0x0];
	_ =	sdelay $0x2  }
0xbc: {  	s31 =	sshll.u32 s1, $0xD;
	s1 =	sshrl.u32 s1, $0x2  }
0xbd: {  	s3 =	sand.u32 $0x4000, s31;
	s1 =	sadd.s32 s1, s30  }
0xbe: {  	s0 =	sor.u32 s3, s0;
	s1 =	sshll.u32 s1, $0x11  }
0xbf: {  	s0 =	sor.u32 s1, s0  }
0xc0: {  	s0 =	sadd.s32 $0x8F2B, s0  }
0xc1: {  	[sflag:s0] =	ssyncadd.remote.s32 $0x1  }
0xc2: {  	_ =	sfence.sel $0xFFFF  }
0xc3: {  	[dreg:$0x0] =	wrdreg $0xFFFFFFFF;
	(pc) =	sbr.abs _section_cstart, $3  }
0xc4: {  	[dreg:$0x1] =	wrdreg $0xFFFFFFFF  }
0xc5: {  	_ =	task.clear_ibuf [dreg:s9], $0x2FFFF;
	_ =	strace $0x9FFFFFFF  }
0xc6: {  	(tm) =	ssettm $0x7FFFFFFF  }
0xc7: {  	_ =	shalt  }
tec
execute0_lowered:
.L_overlay_start_1:
0x0: {  	(tag) =	ssettag $0x1  }
0x1: {  	s1 =	rddreg [dreg:$0x0]  }
0x2: {  	s2 =	rddreg [dreg:$0x1];
	s3 =	srdreg.scid  }
0x3: {  	s0 =	stileid.u32;
	s4 =	rddreg [dreg:$0x2]  }
0x4: {  	s7 =	rddreg [dreg:$0x3];
	s5 =	simm.s32 $0x0;
	s13 =	simm.s32 $0x10  }
0x5: {  	s14 =	simm.s32 $0x1C80;
	s15 =	simm.s32 $0x1E80;
	s16 =	simm.s32 $0x1E00  }
0x6: {  	s17 =	simm.s32 $0x2680;
	s18 =	simm.s32 $0x3;
	s19 =	simm.s32 $0x1D80  }
0x7: {  	s20 =	simm.s32 $0x1D00;
	s6 =	sand.u32 $0x1, s3;
	s3 =	rddreg [dreg:$0x4]  }
0x8: {  	s21 =	simm.s32 $0x0;
	s30 =	sshll.u32 s0, $0x1;
	[smem:$0x7FF] =	sst s5  }
0x9: {  	s11 =	sor.u32 s6, s30;
	_ =	strace $0x80000047;
	s8 =	ssub.s32 $0x2, s6  }
0xa: {  	s6 =	sadd.s32 $0xA00, s7;
	s12 =	smul.u32 $0xC40, s11;
	s31 =	sshrl.u32 s8, $0x1  }
.Ltmp0:
0xb: {  	p0 =	seq.s32 s11, $0x1F;
	p3 =	seq.s32 s11, $0x0;
	(pc) =	sbr.rel .LBB2_1-.Ltmp0, $4  }
0xc: {  	s10 =	ssub.s32 s8, s31;
	s8 =	sadd.s32 $0x2F77, s1;
	p2 =	sne.s32 @!p0 s11, $0x0  }
0xd: {  	s11 =	simm.s32 $0x1;
	s9 =	sadd.s32 $0xFFFFFFF8, s12;
	p1 =	por !p2, p0;
	v0 =	vmov s12  }
0xe: {  	v1 =	vlaneseq.u32;
	v2 =	vimm.s32 $0x627;
	p2 =	por p2, p0;
	s12 =	simm.s32 $0x2;
	s9 =	sshrl.u32 s9, $0x3;
	v0 =	vadd.s32 $0xFFFFFFF8, v0  }
0xf: {  	v3 =	vimm.s32 $0x8;
	v4 =	vimm.s32 $0x317;
	s7 =	sadd.s32 s1, s9;
	s9 =	smax.u32 s10, $0x1;
	s10 =	simm.s32 $0xC80;
	v0 =	vbroadcast v0, $0x0  }
.LBB2_10:
0x10: {  	s21 =	sadd.s32 $0x1, s21  }
0x11: {  	p4 =	sne.s32 s21, s9  }
.Ltmp1:
0x12: {  	_ = 	snop;
	(pc) =	sbr.rel @!p4 .LBB2_11-.Ltmp1, $1  }
0x13: {  	_ =	sdelay $0x3  }
.LBB2_1:
0x14: {  	[tilespmem:s10], [sflag:$0x1] =	stream.linear.gather [hbm4b:s2+s5], $0x1000, $0x38;
	[tilespmem:$0x2E80] =	vst v63  }
0x15: {  	s22 =	simm.s32 @p0 $0x0  }
0x16: {  	[tilespmem:s22], [sflag:$0x2] =	stream.linear.gather @p0 [hbm4b:s8+s22], $0xAE8, $0x38;
	[tilespmem:$0x2E80] =	vst v63  }
0x17: {  	s22 =	simm.s32 @p0 $0x2  }
0x18: {  	_ =	swait.ge @p0 [sflag:s22], $0xAE8  }
0x19: {  	[sflag:s22] =	ssyncset.done @p0 $0x0  }
0x1a: {  	[sflag:s22] =	ssyncadd.s32 @p0 $0xFFFFF518  }
0x1b: {  	v5 =	vld @p0 [tilespmem:$0xAD8];
	_ =	sdelay $0x4  }
0x1c: {  	v5 =	vbroadcast @p0 v5, $0xF;
	_ =	sdelay $0x1  }
0x1d: {  	[tilespmem:$0xAE8] =	vst @p0 v5  }
0x1e: {  	[tilespmem:$0xAF8] =	vst @p0 v5  }
0x1f: {  	[tilespmem:$0xB08] =	vst @p0 v5  }
0x20: {  	[tilespmem:$0xB18] =	vst @p0 v5  }
0x21: {  	[tilespmem:$0xB28] =	vst @p0 v5  }
0x22: {  	[tilespmem:$0xB38] =	vst @p0 v5  }
0x23: {  	[tilespmem:$0xB48] =	vst @p0 v5  }
0x24: {  	[tilespmem:$0xB58] =	vst @p0 v5  }
0x25: {  	[tilespmem:$0xB68] =	vst @p0 v5  }
0x26: {  	[tilespmem:$0xB78] =	vst @p0 v5  }
0x27: {  	[tilespmem:$0xB88] =	vst @p0 v5  }
0x28: {  	[tilespmem:$0xB98] =	vst @p0 v5  }
0x29: {  	[tilespmem:$0xBA8] =	vst @p0 v5  }
0x2a: {  	[tilespmem:$0xBB8] =	vst @p0 v5  }
0x2b: {  	[tilespmem:$0xBC8] =	vst @p0 v5  }
0x2c: {  	[tilespmem:$0xBD8] =	vst @p0 v5  }
0x2d: {  	[tilespmem:$0xBE8] =	vst @p0 v5  }
0x2e: {  	[tilespmem:$0xBF8] =	vst @p0 v5  }
0x2f: {  	[tilespmem:$0xC08] =	vst @p0 v5  }
0x30: {  	[tilespmem:$0xC18] =	vst @p0 v5  }
0x31: {  	[tilespmem:$0xC28] =	vst @p0 v5  }
0x32: {  	[tilespmem:$0xC38] =	vst @p0 v5  }
0x33: {  	s22 =	simm.s32 @!p1 $0x0;
	[tilespmem:$0xC48] =	vst @p0 v5  }
0x34: {  	[tilespmem:s22], [sflag:$0x2] =	stream.linear.gather @!p1 [hbm4b:s7+s22], $0xC50, $0x38;
	[tilespmem:$0x2E80] =	vst v63  }
0x35: {  	s22 =	simm.s32 @!p1 $0x2  }
0x36: {  	_ =	swait.ge @!p1 [sflag:s22], $0xC50  }
0x37: {  	[sflag:s22] =	ssyncset.done @!p1 $0x0  }
0x38: {  	s23 =	simm.s32 @!p2 $0x8;
	[sflag:s22] =	ssyncadd.s32 @!p1 $0xFFFFF3B0;
	s22 =	simm.s32 @!p2 $0x0  }
0x39: {  	[tilespmem:s23], [sflag:$0x2] =	stream.linear.gather @!p2 [hbm4b:s1+s22], $0xC48, $0x38;
	[tilespmem:$0x2E80] =	vst v63  }
0x3a: {  	s22 =	simm.s32 @!p2 $0x2  }
0x3b: {  	_ =	swait.ge @!p2 [sflag:s22], $0xC48  }
0x3c: {  	[sflag:s22] =	ssyncset.done @!p2 $0x0  }
0x3d: {  	[sflag:s22] =	ssyncadd.s32 @!p2 $0xFFFFF3B8  }
0x3e: {  	_ =	swait.ge [sflag:s11], $0x1000  }
0x3f: {  	[sflag:s11] =	ssyncset.done $0x0  }
0x40: {  	[sflag:s11] =	ssyncadd.s32 $0xFFFFF000  }
0x41: {  	v5 =	vld [tilespmem:$0x0]  }
0x42: {  	v6 =	vld [tilespmem:$0xC40];
	_ =	sdelay $0x3  }
0x43: {  	(v2sf) =	vpush v5, $0x7  }
0x44: {  	(v2sf) =	vpush v6, $0x7;
	_ =	sdelay $0xd  }
0x45: {  	s22 =	spop (v2sf)  }
0x46: {  	s22 =	simm.s32 @p3 $0xFFFFFFFF;
	s31 =	spop (v2sf)  }
0x47: {  	s24 =	ssub.s32 s31, s22  }
0x48: {  	p4 =	slt.s32 s24, $0x1  }
0x49: {  	v7 =	vimm.s32 @!p4 $0x627;
	_ =	sdelay $0x3  }
0x4a: {  	s23 =	simm.s32 @!p4 $0x0  }
0x4b: {  	v8 =	vld.idx.msk @!p4 [tilespmem:v7+s23+$0x0], $0xffff  }
0x4c: {  	s22 =	sadd.s32 @!p4 $0x1, s22;
	v9 =	vlaneseq.u32 @!p4;
	v5 =	vbroadcast @!p4 v6, $0x7  }
0x4d: {  	v6 =	vadd.s32 @!p4 s22, v9  }
0x4e: {  	vm0 =	vlt.s32 @!p4 v6, v5  }
0x4f: {  	v6 =	vsel @!p4 vm0, v6, v5  }
0x50: {  	vm0 =	vlt.s32 @!p4 v8, v6;
	v8 =	vimm.s32 @!p4 $0x317  }
0x51: {  	v8 =	vsel @!p4 vm0, $0x937, v8;
	_ =	sdelay $0x4  }
0x52: {  	v9 =	vld.idx.msk @!p4 [tilespmem:v8+s23+$0x0], $0xffff;
	_ =	sdelay $0x4  }
0x53: {  	v10 =	vimm.s32 @!p4 $0x8;
	v7 =	vsel @!p4 vm0, $0xC47, v7;
	vm1 =	vlt.s32 @!p4 v9, v6  }
0x54: {  	v9 =	vsel @!p4 vm0, $0x628, v10;
	v10 =	vadd.s32 @!p4 $0x1, v8;
	v7 =	vsel @!p4 vm1, v7, v8  }
0x55: {  	v8 =	vsel @!p4 vm1, v10, v9;
	v9 =	vadd.s32 @!p4 $0xFFFFFFFF, v7  }
0x56: {  	v9 =	vadd.s32 @!p4 v9, v8  }
0x57: {  	v9 =	vshrl.u32 @!p4 v9, $0x1;
	_ =	sdelay $0x4  }
0x58: {  	v10 =	vld.idx.msk @!p4 [tilespmem:v9+s23+$0x0], $0xffff;
	_ =	sdelay $0x4  }
0x59: {  	vm0 =	vlt.s32 @!p4 v10, v6;
	v10 =	vadd.s32 @!p4 $0x1, v9  }
0x5a: {  	v8 =	vsel @!p4 vm0, v10, v8  }
0x5b: {  	v7 =	vsel @!p4 vm0, v7, v9;
	v9 =	vadd.s32 @!p4 $0xFFFFFFFF, v8  }
0x5c: {  	v10 =	vxor.u32 @!p4 v9, v7  }
0x5d: {  	v9 =	vor.u32 @!p4 v9, v7;
	v10 =	vshrl.u32 @!p4 v10, $0x1  }
0x5e: {  	v9 =	vsub.s32 @!p4 v9, v10;
	_ =	sdelay $0x4  }
0x5f: {  	v10 =	vld.idx.msk @!p4 [tilespmem:v9+s23+$0x0], $0xffff;
	_ =	sdelay $0x4  }
0x60: {  	vm0 =	vlt.s32 @!p4 v10, v6;
	v10 =	vadd.s32 @!p4 $0x1, v9  }
0x61: {  	v8 =	vsel @!p4 vm0, v10, v8;
	v7 =	vsel @!p4 vm0, v7, v9  }
0x62: {  	v9 =	vadd.s32 @!p4 v7, v8  }
0x63: {  	v9 =	vshrl.u32 @!p4 v9, $0x1;
	_ =	sdelay $0x4  }
0x64: {  	v10 =	vld.idx.msk @!p4 [tilespmem:v9+s23+$0x0], $0xffff;
	_ =	sdelay $0x4  }
0x65: {  	vm0 =	vlt.s32 @!p4 v10, v6;
	v10 =	vadd.s32 @!p4 $0x1, v9  }
0x66: {  	v8 =	vsel @!p4 vm0, v10, v8;
	v7 =	vsel @!p4 vm0, v7, v9  }
0x67: {  	v9 =	vadd.s32 @!p4 v7, v8  }
0x68: {  	v9 =	vshrl.u32 @!p4 v9, $0x1;
	_ =	sdelay $0x4  }
0x69: {  	v10 =	vld.idx.msk @!p4 [tilespmem:v9+s23+$0x0], $0xffff;
	_ =	sdelay $0x4  }
0x6a: {  	vm0 =	vlt.s32 @!p4 v10, v6;
	v10 =	vadd.s32 @!p4 $0x1, v9  }
0x6b: {  	v8 =	vsel @!p4 vm0, v10, v8;
	v7 =	vsel @!p4 vm0, v7, v9  }
0x6c: {  	v9 =	vadd.s32 @!p4 v7, v8  }
0x6d: {  	v9 =	vshrl.u32 @!p4 v9, $0x1;
	_ =	sdelay $0x4  }
0x6e: {  	v10 =	vld.idx.msk @!p4 [tilespmem:v9+s23+$0x0], $0xffff;
	_ =	sdelay $0x4  }
0x6f: {  	vm0 =	vlt.s32 @!p4 v10, v6;
	v10 =	vadd.s32 @!p4 $0x1, v9  }
0x70: {  	v8 =	vsel @!p4 vm0, v10, v8;
	v7 =	vsel @!p4 vm0, v7, v9  }
0x71: {  	v9 =	vadd.s32 @!p4 v7, v8  }
0x72: {  	v9 =	vshrl.u32 @!p4 v9, $0x1;
	_ =	sdelay $0x4  }
0x73: {  	v10 =	vld.idx.msk @!p4 [tilespmem:v9+s23+$0x0], $0xffff;
	_ =	sdelay $0x4  }
0x74: {  	vm0 =	vlt.s32 @!p4 v10, v6;
	v10 =	vadd.s32 @!p4 $0x1, v9  }
0x75: {  	v8 =	vsel @!p4 vm0, v10, v8;
	v7 =	vsel @!p4 vm0, v7, v9  }
0x76: {  	v9 =	vadd.s32 @!p4 v7, v8  }
0x77: {  	v9 =	vshrl.u32 @!p4 v9, $0x1;
	_ =	sdelay $0x4  }
0x78: {  	v10 =	vld.idx.msk @!p4 [tilespmem:v9+s23+$0x0], $0xffff;
	_ =	sdelay $0x4  }
0x79: {  	vm0 =	vlt.s32 @!p4 v10, v6;
	v10 =	vadd.s32 @!p4 $0x1, v9  }
0x7a: {  	v8 =	vsel @!p4 vm0, v10, v8;
	v7 =	vsel @!p4 vm0, v7, v9  }
0x7b: {  	v9 =	vadd.s32 @!p4 v7, v8  }
0x7c: {  	v9 =	vshrl.u32 @!p4 v9, $0x1;
	_ =	sdelay $0x4  }
0x7d: {  	v10 =	vld.idx.msk @!p4 [tilespmem:v9+s23+$0x0], $0xffff;
	_ =	sdelay $0x4  }
0x7e: {  	vm0 =	vlt.s32 @!p4 v10, v6;
	v10 =	vadd.s32 @!p4 $0x1, v9  }
0x7f: {  	v8 =	vsel @!p4 vm0, v10, v8;
	v7 =	vsel @!p4 vm0, v7, v9  }
0x80: {  	v9 =	vadd.s32 @!p4 v7, v8  }
0x81: {  	v9 =	vshrl.u32 @!p4 v9, $0x1;
	_ =	sdelay $0x4  }
0x82: {  	v10 =	vld.idx.msk @!p4 [tilespmem:v9+s23+$0x0], $0xffff;
	_ =	sdelay $0x4  }
0x83: {  	vm0 =	vlt.s32 @!p4 v10, v6;
	v10 =	vadd.s32 @!p4 $0x1, v9  }
0x84: {  	v8 =	vsel @!p4 vm0, v10, v8;
	v7 =	vsel @!p4 vm0, v7, v9  }
0x85: {  	v7 =	vadd.s32 @!p4 v7, v8  }
0x86: {  	v7 =	vshrl.u32 @!p4 v7, $0x1;
	_ =	sdelay $0x4  }
0x87: {  	s25 =	simm.s32 @!p4 $0xC80;
	s24 =	sadd.s32 @!p4 $0xF, s24;
	v9 =	vld.idx.msk @!p4 [tilespmem:v7+s23+$0x0], $0xffff  }
0x88: {  	v10 =	vld.idx.msk @!p4 [tilespmem:v6+s25+$0x0], $0xffff;
	s25 =	sand.u32 @!p4 $0xF, s24  }
0x89: {  	p5 =	slt.s32 @!p4 s24, $0x0;
	p6 =	sne.s32 @!p4 s25, $0x0  }
0x8a: {  	s25 =	sshra.s32 @!p4 s24, $0x1F;
	p5 =	por @!p4 !p5, !p6  }
0x8b: {  	s25 =	sshrl.u32 @!p4 s25, $0x1C;
	p5 =	por @!p4 !p5, !p5  }
0x8c: {  	s24 =	sadd.s32 @!p4 s25, s24;
	s25 =	simm.s32 @!p4 $0x1;
	p5 =	por !p5, p4;
	v7 =	vadd.s32 @!p4 $0x1, v7;
	vm0 =	vlt.s32 @!p4 v9, v6  }
0x8d: {  	s24 =	sshra.s32 @!p4 s24, $0x4;
	s25 =	simm.s32 @p5 $0x0;
	v7 =	vsel @!p4 vm0, v7, v8;
	v8 =	vadd.s32 @!p4 v10, v0  }
0x8e: {  	s26 =	simm.s32 @!p4 $0x1C80;
	s24 =	ssub.s32 @!p4 s24, s25;
	[tilespmem:$0x1D00] =	vst @!p4 v6;
	v7 =	vadd.s32 @!p4 v7, v8  }
0x8f: {  	s28 =	simm.s32 @!p4 $0x1E80;
	s25 =	simm.s32 @!p4 $0x10;
	p5 =	slt.s32 @!p4 s24, $0x1;
	[tilespmem:$0x1C80] =	vst @!p4 v7  }
0x90: {  	[tilespmem:s28], [sflag:$0x2] =	stream.indirect.gather @!p4 [hbm4b:s4+s25], $0x80, s26, s25, $0xb8;
	[tilespmem:$0x2E80] =	vst v63  }
0x91: {  	p4 =	por p4, p5  }
.Ltmp2:
0x92: {  	_ = 	snop;
	(pc) =	sbr.rel @!p4 .LBB2_2-.Ltmp2, $4  }
.Ltmp3:
0x93: {  	_ = 	snop;
	(pc) =	sbr.rel @p4 .LBB2_10-.Ltmp3, $4  }
0x94: {  	_ = 	snop  }
0x95: {  	_ = 	snop  }
0x96: {  	_ = 	snop  }
0x97: {  	_ = 	snop  }
.LBB2_8:
0x98: {  	[hbm4b:s6+s13] =	stream.indirect.scatter [tilespmem:s17], [sflag:$0x3], $0x80, s16, s13, $0xb8;
	[tilespmem:$0x2E80] =	vst v63  }
0x99: {  	_ =	swait.ge [sflag:s18], $0x800  }
0x9a: {  	[sflag:s18] =	ssyncset.done $0x0  }
0x9b: {  	[sflag:s18] =	ssyncadd.s32 $0xFFFFF800  }
.LBB2_9:
0x9c: {  	p4 =	sne.s32 s25, s24  }
.Ltmp4:
0x9d: {  	_ = 	snop;
	(pc) =	sbr.rel @!p4 .LBB2_10-.Ltmp4, $2  }
0x9e: {  	_ =	sdelay $0x2  }
0x9f: {  	s23 =	smov.u32 s25  }
.LBB2_2:
0xa0: {  	s26 =	sand.u32 $0x1, s23  }
0xa1: {  	p4 =	seq.s32 s26, $0x1  }
.Ltmp5:
0xa2: {  	_ = 	snop;
	(pc) =	sbr.rel @p4 .LBB2_6-.Ltmp5, $1  }
0xa3: {  	_ =	sdelay $0x3  }
0xa4: {  	s25 =	sor.u32 $0x1, s23  }
0xa5: {  	p4 =	sge.s32 s25, s24  }
.Ltmp6:
0xa6: {  	_ = 	snop;
	(pc) =	sbr.rel @p4 .LBB2_5-.Ltmp6, $4  }
0xa7: {  	_ = 	snop  }
0xa8: {  	_ =	swait.ge [sflag:s12], $0x800  }
0xa9: {  	[sflag:s12] =	ssyncset.done $0x0  }
0xaa: {  	[sflag:s12] =	ssyncadd.s32 $0xFFFFF800  }
0xab: {  	_ =	sdelay $0x3  }
0xac: {  	s28 =	sshll.u32 s25, $0x4;
	v6 =	vld.idx.msk [tilespmem:v2+s5+$0x0], $0xffff  }
0xad: {  	s28 =	sadd.s32 s22, s28  }
0xae: {  	v7 =	vadd.s32 s28, v1  }
0xaf: {  	vm0 =	vlt.s32 v7, v5  }
0xb0: {  	v7 =	vsel vm0, v7, v5  }
0xb1: {  	vm0 =	vlt.s32 v6, v7  }
0xb2: {  	v6 =	vsel vm0, $0x937, v4;
	_ =	sdelay $0x4  }
0xb3: {  	v8 =	vld.idx.msk [tilespmem:v6+s5+$0x0], $0xffff;
	_ =	sdelay $0x4  }
0xb4: {  	v9 =	vsel vm0, $0xC47, v2;
	vm1 =	vlt.s32 v8, v7  }
0xb5: {  	v41 =	vsel vm0, $0x628, v3;
	v10 =	vadd.s32 $0x1, v6;
	v6 =	vsel vm1, v9, v6  }
0xb6: {  	v8 =	vsel vm1, v10, v41;
	v9 =	vadd.s32 $0xFFFFFFFF, v6  }
0xb7: {  	v9 =	vadd.s32 v9, v8  }
0xb8: {  	v9 =	vshrl.u32 v9, $0x1;
	_ =	sdelay $0x4  }
0xb9: {  	v42 =	vld.idx.msk [tilespmem:v9+s5+$0x0], $0xffff;
	_ =	sdelay $0x4  }
0xba: {  	v43 =	vadd.s32 $0x1, v9;
	vm6 =	vlt.s32 v42, v7  }
0xbb: {  	v8 =	vsel vm6, v43, v8  }
0xbc: {  	v6 =	vsel vm6, v6, v9;
	v44 =	vadd.s32 $0xFFFFFFFF, v8  }
0xbd: {  	v45 =	vxor.u32 v44, v6  }
0xbe: {  	v9 =	vor.u32 v44, v6;
	v10 =	vshrl.u32 v45, $0x1  }
0xbf: {  	v9 =	vsub.s32 v9, v10;
	_ =	sdelay $0x4  }
0xc0: {  	v10 =	vld.idx.msk [tilespmem:v9+s5+$0x0], $0xffff;
	_ =	sdelay $0x4  }
0xc1: {  	v46 =	vadd.s32 $0x1, v9;
	vm7 =	vlt.s32 v10, v7  }
0xc2: {  	v8 =	vsel vm7, v46, v8;
	v6 =	vsel vm7, v6, v9  }
0xc3: {  	v9 =	vadd.s32 v6, v8  }
0xc4: {  	v9 =	vshrl.u32 v9, $0x1;
	_ =	sdelay $0x4  }
0xc5: {  	v47 =	vld.idx.msk [tilespmem:v9+s5+$0x0], $0xffff;
	_ =	sdelay $0x4  }
0xc6: {  	v48 =	vadd.s32 $0x1, v9;
	vm8 =	vlt.s32 v47, v7  }
0xc7: {  	v8 =	vsel vm8, v48, v8;
	v6 =	vsel vm8, v6, v9  }
0xc8: {  	v9 =	vadd.s32 v6, v8  }
0xc9: {  	v9 =	vshrl.u32 v9, $0x1;
	_ =	sdelay $0x4  }
0xca: {  	v49 =	vld.idx.msk [tilespmem:v9+s5+$0x0], $0xffff;
	_ =	sdelay $0x4  }
0xcb: {  	v50 =	vadd.s32 $0x1, v9;
	vm9 =	vlt.s32 v49, v7  }
0xcc: {  	v8 =	vsel vm9, v50, v8;
	v6 =	vsel vm9, v6, v9  }
0xcd: {  	v9 =	vadd.s32 v6, v8  }
0xce: {  	v9 =	vshrl.u32 v9, $0x1;
	_ =	sdelay $0x4  }
0xcf: {  	v51 =	vld.idx.msk [tilespmem:v9+s5+$0x0], $0xffff;
	_ =	sdelay $0x4  }
0xd0: {  	v52 =	vadd.s32 $0x1, v9;
	vm10 =	vlt.s32 v51, v7  }
0xd1: {  	v8 =	vsel vm10, v52, v8;
	v6 =	vsel vm10, v6, v9  }
0xd2: {  	v9 =	vadd.s32 v6, v8  }
0xd3: {  	v9 =	vshrl.u32 v9, $0x1;
	_ =	sdelay $0x4  }
0xd4: {  	v53 =	vld.idx.msk [tilespmem:v9+s5+$0x0], $0xffff;
	_ =	sdelay $0x4  }
0xd5: {  	v54 =	vadd.s32 $0x1, v9;
	vm11 =	vlt.s32 v53, v7  }
0xd6: {  	v8 =	vsel vm11, v54, v8;
	v6 =	vsel vm11, v6, v9  }
0xd7: {  	v9 =	vadd.s32 v6, v8  }
0xd8: {  	v9 =	vshrl.u32 v9, $0x1;
	_ =	sdelay $0x4  }
0xd9: {  	v55 =	vld.idx.msk [tilespmem:v9+s5+$0x0], $0xffff;
	_ =	sdelay $0x4  }
0xda: {  	v56 =	vadd.s32 $0x1, v9;
	vm12 =	vlt.s32 v55, v7  }
0xdb: {  	v8 =	vsel vm12, v56, v8;
	v6 =	vsel vm12, v6, v9  }
0xdc: {  	v9 =	vadd.s32 v6, v8  }
0xdd: {  	v9 =	vshrl.u32 v9, $0x1;
	_ =	sdelay $0x4  }
0xde: {  	v57 =	vld.idx.msk [tilespmem:v9+s5+$0x0], $0xffff;
	_ =	sdelay $0x4  }
0xdf: {  	v58 =	vadd.s32 $0x1, v9;
	vm13 =	vlt.s32 v57, v7  }
0xe0: {  	v8 =	vsel vm13, v58, v8;
	v6 =	vsel vm13, v6, v9  }
0xe1: {  	v9 =	vadd.s32 v6, v8  }
0xe2: {  	v9 =	vshrl.u32 v9, $0x1;
	_ =	sdelay $0x4  }
0xe3: {  	v59 =	vld.idx.msk [tilespmem:v9+s5+$0x0], $0xffff;
	_ =	sdelay $0x4  }
0xe4: {  	v60 =	vadd.s32 $0x1, v9;
	vm14 =	vlt.s32 v59, v7  }
0xe5: {  	v8 =	vsel vm14, v60, v8;
	v6 =	vsel vm14, v6, v9  }
0xe6: {  	v6 =	vadd.s32 v6, v8  }
0xe7: {  	v6 =	vshrl.u32 v6, $0x1;
	_ =	sdelay $0x4  }
0xe8: {  	v61 =	vld.idx.msk [tilespmem:v6+s5+$0x0], $0xffff  }
0xe9: {  	v62 =	vld.idx.msk [tilespmem:v7+s10+$0x0], $0xffff;
	_ =	sdelay $0x3  }
0xea: {  	v6 =	vadd.s32 $0x1, v6;
	vm15 =	vlt.s32 v61, v7  }
0xeb: {  	v63 =	vadd.s32 v62, v0;
	v6 =	vsel vm15, v6, v8  }
0xec: {  	[tilespmem:$0x1E00] =	vst v7;
	v6 =	vadd.s32 v6, v63  }
0xed: {  	[tilespmem:$0x1D80] =	vst v6  }
0xee: {  	[tilespmem:s17], [sflag:$0x2] =	stream.indirect.gather [hbm4b:s4+s13], $0x80, s19, s13, $0xb8;
	[tilespmem:$0x2E80] =	vst v63  }
.LBB2_5:
0xef: {  	p4 =	seq.s32 s26, $0x0  }
.Ltmp7:
0xf0: {  	_ = 	snop;
	(pc) =	sbr.rel @p4 .LBB2_9-.Ltmp7, $4  }
0xf1: {  	[hbm4b:s6+s13] =	stream.indirect.scatter [tilespmem:s15], [sflag:$0x3], $0x80, s20, s13, $0xb8;
	[tilespmem:$0x2E80] =	vst v63  }
0xf2: {  	_ =	swait.ge [sflag:s18], $0x800  }
0xf3: {  	[sflag:s18] =	ssyncset.done $0x0  }
0xf4: {  	[sflag:s18] =	ssyncadd.s32 $0xFFFFF800  }
.LBB2_6:
0xf5: {  	s25 =	sadd.s32 $0x1, s23  }
0xf6: {  	p4 =	sge.s32 s25, s24  }
.Ltmp8:
0xf7: {  	_ = 	snop;
	(pc) =	sbr.rel @p4 .LBB2_8-.Ltmp8, $4  }
0xf8: {  	_ = 	snop  }
0xf9: {  	_ =	swait.ge [sflag:s12], $0x800  }
0xfa: {  	[sflag:s12] =	ssyncset.done $0x0  }
0xfb: {  	[sflag:s12] =	ssyncadd.s32 $0xFFFFF800  }
0xfc: {  	_ =	sdelay $0x3  }
0xfd: {  	s23 =	sshll.u32 s25, $0x4;
	v6 =	vld.idx.msk [tilespmem:v2+s5+$0x0], $0xffff  }
0xfe: {  	s23 =	sadd.s32 s22, s23  }
0xff: {  	v7 =	vadd.s32 s23, v1  }
0x100: {  	vm0 =	vlt.s32 v7, v5  }
0x101: {  	v7 =	vsel vm0, v7, v5  }
0x102: {  	vm0 =	vlt.s32 v6, v7  }
0x103: {  	v6 =	vsel vm0, $0x937, v4;
	_ =	sdelay $0x4  }
0x104: {  	v8 =	vld.idx.msk [tilespmem:v6+s5+$0x0], $0xffff;
	_ =	sdelay $0x4  }
0x105: {  	v9 =	vsel vm0, $0xC47, v2;
	vm1 =	vlt.s32 v8, v7  }
0x106: {  	v41 =	vsel vm0, $0x628, v3;
	v10 =	vadd.s32 $0x1, v6;
	v6 =	vsel vm1, v9, v6  }
0x107: {  	v8 =	vsel vm1, v10, v41;
	v9 =	vadd.s32 $0xFFFFFFFF, v6  }
0x108: {  	v9 =	vadd.s32 v9, v8  }
0x109: {  	v9 =	vshrl.u32 v9, $0x1;
	_ =	sdelay $0x4  }
0x10a: {  	v42 =	vld.idx.msk [tilespmem:v9+s5+$0x0], $0xffff;
	_ =	sdelay $0x4  }
0x10b: {  	v43 =	vadd.s32 $0x1, v9;
	vm6 =	vlt.s32 v42, v7  }
0x10c: {  	v8 =	vsel vm6, v43, v8  }
0x10d: {  	v6 =	vsel vm6, v6, v9;
	v44 =	vadd.s32 $0xFFFFFFFF, v8  }
0x10e: {  	v45 =	vxor.u32 v44, v6  }
0x10f: {  	v9 =	vor.u32 v44, v6;
	v10 =	vshrl.u32 v45, $0x1  }
0x110: {  	v9 =	vsub.s32 v9, v10;
	_ =	sdelay $0x4  }
0x111: {  	v10 =	vld.idx.msk [tilespmem:v9+s5+$0x0], $0xffff;
	_ =	sdelay $0x4  }
0x112: {  	v46 =	vadd.s32 $0x1, v9;
	vm7 =	vlt.s32 v10, v7  }
0x113: {  	v8 =	vsel vm7, v46, v8;
	v6 =	vsel vm7, v6, v9  }
0x114: {  	v9 =	vadd.s32 v6, v8  }
0x115: {  	v9 =	vshrl.u32 v9, $0x1;
	_ =	sdelay $0x4  }
0x116: {  	v47 =	vld.idx.msk [tilespmem:v9+s5+$0x0], $0xffff;
	_ =	sdelay $0x4  }
0x117: {  	v48 =	vadd.s32 $0x1, v9;
	vm8 =	vlt.s32 v47, v7  }
0x118: {  	v8 =	vsel vm8, v48, v8;
	v6 =	vsel vm8, v6, v9  }
0x119: {  	v9 =	vadd.s32 v6, v8  }
0x11a: {  	v9 =	vshrl.u32 v9, $0x1;
	_ =	sdelay $0x4  }
0x11b: {  	v49 =	vld.idx.msk [tilespmem:v9+s5+$0x0], $0xffff;
	_ =	sdelay $0x4  }
0x11c: {  	v50 =	vadd.s32 $0x1, v9;
	vm9 =	vlt.s32 v49, v7  }
0x11d: {  	v8 =	vsel vm9, v50, v8;
	v6 =	vsel vm9, v6, v9  }
0x11e: {  	v9 =	vadd.s32 v6, v8  }
0x11f: {  	v9 =	vshrl.u32 v9, $0x1;
	_ =	sdelay $0x4  }
0x120: {  	v51 =	vld.idx.msk [tilespmem:v9+s5+$0x0], $0xffff;
	_ =	sdelay $0x4  }
0x121: {  	v52 =	vadd.s32 $0x1, v9;
	vm10 =	vlt.s32 v51, v7  }
0x122: {  	v8 =	vsel vm10, v52, v8;
	v6 =	vsel vm10, v6, v9  }
0x123: {  	v9 =	vadd.s32 v6, v8  }
0x124: {  	v9 =	vshrl.u32 v9, $0x1;
	_ =	sdelay $0x4  }
0x125: {  	v53 =	vld.idx.msk [tilespmem:v9+s5+$0x0], $0xffff;
	_ =	sdelay $0x4  }
0x126: {  	v54 =	vadd.s32 $0x1, v9;
	vm11 =	vlt.s32 v53, v7  }
0x127: {  	v8 =	vsel vm11, v54, v8;
	v6 =	vsel vm11, v6, v9  }
0x128: {  	v9 =	vadd.s32 v6, v8  }
0x129: {  	v9 =	vshrl.u32 v9, $0x1;
	_ =	sdelay $0x4  }
0x12a: {  	v55 =	vld.idx.msk [tilespmem:v9+s5+$0x0], $0xffff;
	_ =	sdelay $0x4  }
0x12b: {  	v56 =	vadd.s32 $0x1, v9;
	vm12 =	vlt.s32 v55, v7  }
0x12c: {  	v8 =	vsel vm12, v56, v8;
	v6 =	vsel vm12, v6, v9  }
0x12d: {  	v9 =	vadd.s32 v6, v8  }
0x12e: {  	v9 =	vshrl.u32 v9, $0x1;
	_ =	sdelay $0x4  }
0x12f: {  	v57 =	vld.idx.msk [tilespmem:v9+s5+$0x0], $0xffff;
	_ =	sdelay $0x4  }
0x130: {  	v58 =	vadd.s32 $0x1, v9;
	vm13 =	vlt.s32 v57, v7  }
0x131: {  	v8 =	vsel vm13, v58, v8;
	v6 =	vsel vm13, v6, v9  }
0x132: {  	v9 =	vadd.s32 v6, v8  }
0x133: {  	v9 =	vshrl.u32 v9, $0x1;
	_ =	sdelay $0x4  }
0x134: {  	v59 =	vld.idx.msk [tilespmem:v9+s5+$0x0], $0xffff;
	_ =	sdelay $0x4  }
0x135: {  	v60 =	vadd.s32 $0x1, v9;
	vm14 =	vlt.s32 v59, v7  }
0x136: {  	v8 =	vsel vm14, v60, v8;
	v6 =	vsel vm14, v6, v9  }
0x137: {  	v6 =	vadd.s32 v6, v8  }
0x138: {  	v6 =	vshrl.u32 v6, $0x1;
	_ =	sdelay $0x4  }
0x139: {  	v61 =	vld.idx.msk [tilespmem:v6+s5+$0x0], $0xffff  }
0x13a: {  	v62 =	vld.idx.msk [tilespmem:v7+s10+$0x0], $0xffff;
	_ =	sdelay $0x3  }
.Ltmp9:
0x13b: {  	v6 =	vadd.s32 $0x1, v6;
	vm15 =	vlt.s32 v61, v7;
	(pc) =	sbr.rel .LBB2_8-.Ltmp9, $4  }
0x13c: {  	v63 =	vadd.s32 v62, v0;
	v6 =	vsel vm15, v6, v8  }
0x13d: {  	[tilespmem:$0x1D00] =	vst v7;
	v6 =	vadd.s32 v6, v63  }
0x13e: {  	[tilespmem:$0x1C80] =	vst v6  }
0x13f: {  	[tilespmem:s15], [sflag:$0x2] =	stream.indirect.gather [hbm4b:s4+s13], $0x80, s14, s13, $0xb8;
	[tilespmem:$0x2E80] =	vst v63  }
.LBB2_11:
0x140: {  	_ =	sfence.sel $0x180000  }
0x141: {  	[bflag:$0x0] =	sbarrier.arrive $0xFFFF  }
0x142: {  	p0 =	sne.s32 s0, $0x0;
	_ =	strace $0x90000047  }
0x143: {  	s0 =	sadd.s32 @!p0 $0x100000, s3;
	[bflag:$0x2] =	sbarrier.arrive $0xFFFF  }
0x144: {  	[sflag:s0] =	ssyncadd.tile.s32 @!p0 $0x1;
	_ =	shalt  }
.Lfunc_end2:
_tile_overlayer_lowered:
.L_overlay_start_2:
0x145: {  	(tag) =	ssettag $0x2  }
0x146: {  	s0 =	rddreg [dreg:$0x0];
	s2 =	stileid.u32  }
0x147: {  	s1 =	rddreg [dreg:$0x1];
	p0 =	sne.s32 s2, $0x0  }
0x148: {  	s3 =	rddreg [dreg:$0x2];
	[bflag:$0x3] =	sbarrier.arrive $0xFFFF;
	s2 =	simm.s32 @!p0 $0x1C04  }
0x149: {  	[timem:s3], [sflag:s2] =	dma.local @!p0 [hbm:s0], s1  }
0x14a: {  	s0 =	simm.s32 @!p0 $0x4  }
0x14b: {  	_ =	swait.ge @!p0 [sflag:s0], s1  }
0x14c: {  	s1 =	ssub.s32 @!p0 $0x0, s1;
	[sflag:s0] =	ssyncset.done @!p0 $0x0  }
0x14d: {  	[sflag:s0] =	ssyncadd.s32 @!p0 s1  }
0x14e: {  	[bflag:$0x3] =	sbarrier.arrive $0xFFFF  }
0x14f: {  	_ =	shalt  }

</sc_bundles>
